<compile_context>
chip_gen: v7x
topology: tpu7x:2x2x1
jax: 0.10.2.dev20260603
libtpu: 0.0.44.dev20260713+nightly
codegen_flags: <defaults>
</compile_context>

<pallas_src>
import functools

import jax
import jax.numpy as jnp
from jax import lax
from jax.experimental import pallas as pl
from jax.experimental.pallas import tpu as pltpu
from jax.experimental.pallas import tpu_sc as plsc

_CH = 64
_NBUF = 10
_LA = 6


@functools.lru_cache(maxsize=None)
def _make_lookup(B, V, D, nc, ns):
    NW = nc * ns
    b_per_w = B // NW
    n_chunks = b_per_w // _CH
    assert n_chunks % _NBUF == 0 and n_chunks >= _NBUF
    mesh = plsc.VectorSubcoreMesh(core_axis_name="c", subcore_axis_name="s")

    @functools.partial(
        pl.kernel,
        mesh=mesh,
        out_type=jax.ShapeDtypeStruct((B, D), jnp.float32),
        scratch_types=[
            pltpu.VMEM_SHARED((V, D), jnp.float32),
            pltpu.VMEM((b_per_w,), jnp.int32),
            pltpu.VMEM((_NBUF, _CH, D), jnp.float32),
        ]
        + [pltpu.SemaphoreType.DMA] * (2 * _NBUF),
    )
    def lookup_kernel(idx_hbm, table_hbm, out_hbm, table_sh, idx_v, rows_v,
                      *sems):
        sem_g = sems[:_NBUF]
        sem_s = sems[_NBUF:]
        wid = lax.axis_index("s") * nc + lax.axis_index("c")
        base = wid * b_per_w

        @pl.when(lax.axis_index("s") == 0)
        def _():
            pltpu.sync_copy(table_hbm, table_sh)

        pltpu.sync_copy(idx_hbm.at[pl.ds(base, b_per_w)], idx_v)
        plsc.subcore_barrier()

        def gather_desc(g, b):
            idx_sl = idx_v.at[pl.ds(g * _CH, _CH)]
            return pltpu.make_async_copy(
                table_sh.at[idx_sl], rows_v.at[b], sem_g[b])

        def scatter_desc(g, b):
            return pltpu.make_async_copy(
                rows_v.at[b],
                out_hbm.at[pl.ds(base + g * _CH, _CH)],
                sem_s[b])

        for c in range(_LA):
            gather_desc(c, c).start()

        def body(gg, carry):
            for b in range(_NBUF):
                g = gg * _NBUF + b
                bg = (b + _LA) % _NBUF

                @pl.when(g >= _NBUF - _LA)
                def _():
                    scatter_desc(g + _LA - _NBUF, bg).wait()

                @pl.when(g + _LA < n_chunks)
                def _():
                    gather_desc(g + _LA, bg).start()

                gather_desc(g, b).wait()
                scatter_desc(g, b).start()
            return carry

        lax.fori_loop(0, n_chunks // _NBUF, body, 0)
        for c in range(n_chunks - _NBUF + _LA, n_chunks):
            scatter_desc(c, c % _NBUF).wait()

    return lookup_kernel


def kernel(elems, table):
    shape = elems.shape
    V, D = table.shape
    idx = elems.reshape(-1).astype(jnp.int32)
    B = idx.shape[0]
    info = plsc.get_sparse_core_info()
    nc, ns = info.num_cores, info.num_subcores
    group = nc * ns * _CH * _NBUF
    Bp = ((B + group - 1) // group) * group
    if Bp != B:
        idx = jnp.pad(idx, (0, Bp - B))
    out = _make_lookup(Bp, V, D, nc, ns)(idx, table)
    if Bp != B:
        out = out[:B]
    return out.reshape(*shape, D)

# --- scband reference (transcript-rebuilt; emitter-appended) ---
"""Pipeline reference for scband-atom-encoder-52750788329785 (READ-ONLY COPY).

The authoritative reference and input builder live on the scoring server;
editing this copy changes nothing except your own understanding.
"""

import jax, jax.numpy as jnp
import numpy as np

NUM_ELEMENTS = 119
DIM = 128

def setup_inputs(seed: int = 0) -> dict:
    key = jax.random.key(seed)
    k1, k2 = jax.random.split(key)
    elems = jax.random.randint(k1, (4096, 200), 0, NUM_ELEMENTS, dtype=jnp.int64)
    # nn.Embedding default init: N(0, 1)
    table = jax.random.normal(k2, (NUM_ELEMENTS, DIM), dtype=jnp.float32)
    return {"elems": elems, "table": table}

def reference(elems, table):
    # AtomEncoder.forward: y = self.embeddings(elems)
    y = jnp.take(table, elems, axis=0)
    return y

if __name__ == "__main__":
    import jax
    _d = setup_inputs()
    print(jax.jit(kernel)(*tuple(_d.values())))

</pallas_src>

<mosaic_0001>
#map = affine_map<(d0, d1) -> (0)>
#map1 = affine_map<(d0, d1) -> (0, 0)>
module attributes {stable_mosaic.version = 14 : i64} {
  func.func @lookup_kernel(%arg0: i32, %arg1: i32, %arg2: memref<819200xi32, #tpu.memory_space<hbm>>, %arg3: memref<119x128xf32, #tpu.memory_space<hbm>>, %arg4: memref<819200x128xf32, #tpu.memory_space<hbm>>, %arg5: memref<119x128xf32, #tpu.memory_space<vmem_shared>>, %arg6: memref<25600xi32, #tpu.memory_space<vmem>>, %arg7: memref<10x64x128xf32, #tpu.memory_space<vmem>>, %arg8: memref<!tpu.dma_semaphore, #tpu.memory_space<semaphore_mem>>, %arg9: memref<!tpu.dma_semaphore, #tpu.memory_space<semaphore_mem>>, %arg10: memref<!tpu.dma_semaphore, #tpu.memory_space<semaphore_mem>>, %arg11: memref<!tpu.dma_semaphore, #tpu.memory_space<semaphore_mem>>, %arg12: memref<!tpu.dma_semaphore, #tpu.memory_space<semaphore_mem>>, %arg13: memref<!tpu.dma_semaphore, #tpu.memory_space<semaphore_mem>>, %arg14: memref<!tpu.dma_semaphore, #tpu.memory_space<semaphore_mem>>, %arg15: memref<!tpu.dma_semaphore, #tpu.memory_space<semaphore_mem>>, %arg16: memref<!tpu.dma_semaphore, #tpu.memory_space<semaphore_mem>>, %arg17: memref<!tpu.dma_semaphore, #tpu.memory_space<semaphore_mem>>, %arg18: memref<!tpu.dma_semaphore, #tpu.memory_space<semaphore_mem>>, %arg19: memref<!tpu.dma_semaphore, #tpu.memory_space<semaphore_mem>>, %arg20: memref<!tpu.dma_semaphore, #tpu.memory_space<semaphore_mem>>, %arg21: memref<!tpu.dma_semaphore, #tpu.memory_space<semaphore_mem>>, %arg22: memref<!tpu.dma_semaphore, #tpu.memory_space<semaphore_mem>>, %arg23: memref<!tpu.dma_semaphore, #tpu.memory_space<semaphore_mem>>, %arg24: memref<!tpu.dma_semaphore, #tpu.memory_space<semaphore_mem>>, %arg25: memref<!tpu.dma_semaphore, #tpu.memory_space<semaphore_mem>>, %arg26: memref<!tpu.dma_semaphore, #tpu.memory_space<semaphore_mem>>, %arg27: memref<!tpu.dma_semaphore, #tpu.memory_space<semaphore_mem>>) attributes {dimension_semantics = [#tpu.dimension_semantics<core_parallel>, #tpu.dimension_semantics<subcore_parallel>], iteration_bounds = array<i64: 2, 16>, scalar_prefetch = 0 : i64, scratch_operands = 23 : i64, tpu.core_type = #tpu.core_type<sc_vector_subcore>, window_params = [{transform_indices = #map}, {transform_indices = #map1}, {transform_indices = #map1}]} {
    %mul3A = arith.constant 2 : i32
    %mul3A_0 = arith.muli %arg1, %mul3A : i32
    %add3A = arith.addi %mul3A_0, %arg0 : i32
    %mul3A_1 = arith.constant 25600 : i32
    %mul3A_2 = arith.muli %add3A, %mul3A_1 : i32
    %eq3A = arith.constant 0 : i32
    %eq3A_3 = arith.cmpi eq, %arg1, %eq3A : i32
    %convert_element_type3A = arith.extui %eq3A_3 : i1 to i32
    %cond3A = arith.constant 0 : i32
    %cond3A_4 = arith.cmpi ne, %convert_element_type3A, %cond3A : i32
    scf.if %cond3A_4 {
      "tpu.region"() ({
        %run_scoped3A = tpu.sem_alloc : memref<!tpu.dma_semaphore, #tpu.memory_space<semaphore_mem>>
        tpu.enqueue_dma source(%arg3 : memref<119x128xf32, #tpu.memory_space<hbm>>) target(%arg5 : memref<119x128xf32, #tpu.memory_space<vmem_shared>>) target_semaphore(%run_scoped3A : memref<!tpu.dma_semaphore, #tpu.memory_space<semaphore_mem>>)
        tpu.wait_dma2 semaphore(%run_scoped3A : memref<!tpu.dma_semaphore, #tpu.memory_space<semaphore_mem>>) src(%arg3 : memref<119x128xf32, #tpu.memory_space<hbm>>) dst(%arg5 : memref<119x128xf32, #tpu.memory_space<vmem_shared>>)
        tpu.yield
      }) : () -> ()
    } else {
    }
    "tpu.region"() ({
      %run_scoped3A = tpu.sem_alloc : memref<!tpu.dma_semaphore, #tpu.memory_space<semaphore_mem>>
      %dma_start3A_128 = tpu.memref_slice %arg2[%mul3A_2] : memref<819200xi32, #tpu.memory_space<hbm>> -> memref<25600xi32, #tpu.memory_space<hbm>>
      %dma_start3A_129 = tpu.memref_slice %arg2[%mul3A_2] : memref<819200xi32, #tpu.memory_space<hbm>> -> memref<25600xi32, #tpu.memory_space<hbm>>
      tpu.enqueue_dma source(%dma_start3A_129 : memref<25600xi32, #tpu.memory_space<hbm>>) target(%arg6 : memref<25600xi32, #tpu.memory_space<vmem>>) target_semaphore(%run_scoped3A : memref<!tpu.dma_semaphore, #tpu.memory_space<semaphore_mem>>)
      %dma_wait3A_130 = tpu.memref_slice %arg2[%mul3A_2] : memref<819200xi32, #tpu.memory_space<hbm>> -> memref<25600xi32, #tpu.memory_space<hbm>>
      %dma_wait3A_131 = tpu.memref_slice %arg2[%mul3A_2] : memref<819200xi32, #tpu.memory_space<hbm>> -> memref<25600xi32, #tpu.memory_space<hbm>>
      tpu.wait_dma2 semaphore(%run_scoped3A : memref<!tpu.dma_semaphore, #tpu.memory_space<semaphore_mem>>) src(%dma_wait3A_131 : memref<25600xi32, #tpu.memory_space<hbm>>) dst(%arg6 : memref<25600xi32, #tpu.memory_space<vmem>>)
      tpu.yield
    }) : () -> ()
    %barrier3A = arith.constant 0 : index
    tpu.barrier barrier_id(%barrier3A)
    %dma_start3A = arith.constant 0 : i32
    %dma_start3A_5 = arith.constant 0 : i32
    %dma_start3A_6 = arith.constant 0 : i32
    %dma_start3A_7 = tpu.memref_slice %arg7[%dma_start3A, %dma_start3A_5, %dma_start3A_6] : memref<10x64x128xf32, #tpu.memory_space<vmem>> -> memref<1x64x128xf32, #tpu.memory_space<vmem>>
    %dma_start3A_8 = tpu.memref_squeeze %dma_start3A_7 : memref<1x64x128xf32, #tpu.memory_space<vmem>> -> memref<64x128xf32, #tpu.memory_space<vmem>>
    %dma_start3A_9 = arith.constant 0 : i32
    %dma_start3A_10 = tpu.memref_slice %arg6[%dma_start3A_9] : memref<25600xi32, #tpu.memory_space<vmem>> -> memref<64xi32, #tpu.memory_space<vmem>>
    %dma_start3A_11 = arith.constant 0 : i32
    %dma_start3A_12 = arith.constant 0 : i32
    %dma_start3A_13 = tpu.memref_slice %arg5[%dma_start3A_11, %dma_start3A_12] : memref<119x128xf32, #tpu.memory_space<vmem_shared>> -> memref<119x128xf32, #tpu.memory_space<vmem_shared>>
    tpu.enqueue_indirect_dma source(%dma_start3A_13 : memref<119x128xf32, #tpu.memory_space<vmem_shared>>) target(%dma_start3A_8 : memref<64x128xf32, #tpu.memory_space<vmem>>) offsets(%dma_start3A_10 : memref<64xi32, #tpu.memory_space<vmem>>) semaphore(%arg8 : memref<!tpu.dma_semaphore, #tpu.memory_space<semaphore_mem>>)
    %dma_start3A_14 = arith.constant 1 : i32
    %dma_start3A_15 = arith.constant 0 : i32
    %dma_start3A_16 = arith.constant 0 : i32
    %dma_start3A_17 = tpu.memref_slice %arg7[%dma_start3A_14, %dma_start3A_15, %dma_start3A_16] : memref<10x64x128xf32, #tpu.memory_space<vmem>> -> memref<1x64x128xf32, #tpu.memory_space<vmem>>
    %dma_start3A_18 = tpu.memref_squeeze %dma_start3A_17 : memref<1x64x128xf32, #tpu.memory_space<vmem>> -> memref<64x128xf32, #tpu.memory_space<vmem>>
    %dma_start3A_19 = arith.constant 64 : i32
    %dma_start3A_20 = tpu.memref_slice %arg6[%dma_start3A_19] : memref<25600xi32, #tpu.memory_space<vmem>> -> memref<64xi32, #tpu.memory_space<vmem>>
    %dma_start3A_21 = arith.constant 0 : i32
    %dma_start3A_22 = arith.constant 0 : i32
    %dma_start3A_23 = tpu.memref_slice %arg5[%dma_start3A_21, %dma_start3A_22] : memref<119x128xf32, #tpu.memory_space<vmem_shared>> -> memref<119x128xf32, #tpu.memory_space<vmem_shared>>
    tpu.enqueue_indirect_dma source(%dma_start3A_23 : memref<119x128xf32, #tpu.memory_space<vmem_shared>>) target(%dma_start3A_18 : memref<64x128xf32, #tpu.memory_space<vmem>>) offsets(%dma_start3A_20 : memref<64xi32, #tpu.memory_space<vmem>>) semaphore(%arg9 : memref<!tpu.dma_semaphore, #tpu.memory_space<semaphore_mem>>)
    %dma_start3A_24 = arith.constant 2 : i32
    %dma_start3A_25 = arith.constant 0 : i32
    %dma_start3A_26 = arith.constant 0 : i32
    %dma_start3A_27 = tpu.memref_slice %arg7[%dma_start3A_24, %dma_start3A_25, %dma_start3A_26] : memref<10x64x128xf32, #tpu.memory_space<vmem>> -> memref<1x64x128xf32, #tpu.memory_space<vmem>>
    %dma_start3A_28 = tpu.memref_squeeze %dma_start3A_27 : memref<1x64x128xf32, #tpu.memory_space<vmem>> -> memref<64x128xf32, #tpu.memory_space<vmem>>
    %dma_start3A_29 = arith.constant 128 : i32
    %dma_start3A_30 = tpu.memref_slice %arg6[%dma_start3A_29] : memref<25600xi32, #tpu.memory_space<vmem>> -> memref<64xi32, #tpu.memory_space<vmem>>
    %dma_start3A_31 = arith.constant 0 : i32
    %dma_start3A_32 = arith.constant 0 : i32
    %dma_start3A_33 = tpu.memref_slice %arg5[%dma_start3A_31, %dma_start3A_32] : memref<119x128xf32, #tpu.memory_space<vmem_shared>> -> memref<119x128xf32, #tpu.memory_space<vmem_shared>>
    tpu.enqueue_indirect_dma source(%dma_start3A_33 : memref<119x128xf32, #tpu.memory_space<vmem_shared>>) target(%dma_start3A_28 : memref<64x128xf32, #tpu.memory_space<vmem>>) offsets(%dma_start3A_30 : memref<64xi32, #tpu.memory_space<vmem>>) semaphore(%arg10 : memref<!tpu.dma_semaphore, #tpu.memory_space<semaphore_mem>>)
    %dma_start3A_34 = arith.constant 3 : i32
    %dma_start3A_35 = arith.constant 0 : i32
    %dma_start3A_36 = arith.constant 0 : i32
    %dma_start3A_37 = tpu.memref_slice %arg7[%dma_start3A_34, %dma_start3A_35, %dma_start3A_36] : memref<10x64x128xf32, #tpu.memory_space<vmem>> -> memref<1x64x128xf32, #tpu.memory_space<vmem>>
    %dma_start3A_38 = tpu.memref_squeeze %dma_start3A_37 : memref<1x64x128xf32, #tpu.memory_space<vmem>> -> memref<64x128xf32, #tpu.memory_space<vmem>>
    %dma_start3A_39 = arith.constant 192 : i32
    %dma_start3A_40 = tpu.memref_slice %arg6[%dma_start3A_39] : memref<25600xi32, #tpu.memory_space<vmem>> -> memref<64xi32, #tpu.memory_space<vmem>>
    %dma_start3A_41 = arith.constant 0 : i32
    %dma_start3A_42 = arith.constant 0 : i32
    %dma_start3A_43 = tpu.memref_slice %arg5[%dma_start3A_41, %dma_start3A_42] : memref<119x128xf32, #tpu.memory_space<vmem_shared>> -> memref<119x128xf32, #tpu.memory_space<vmem_shared>>
    tpu.enqueue_indirect_dma source(%dma_start3A_43 : memref<119x128xf32, #tpu.memory_space<vmem_shared>>) target(%dma_start3A_38 : memref<64x128xf32, #tpu.memory_space<vmem>>) offsets(%dma_start3A_40 : memref<64xi32, #tpu.memory_space<vmem>>) semaphore(%arg11 : memref<!tpu.dma_semaphore, #tpu.memory_space<semaphore_mem>>)
    %dma_start3A_44 = arith.constant 4 : i32
    %dma_start3A_45 = arith.constant 0 : i32
    %dma_start3A_46 = arith.constant 0 : i32
    %dma_start3A_47 = tpu.memref_slice %arg7[%dma_start3A_44, %dma_start3A_45, %dma_start3A_46] : memref<10x64x128xf32, #tpu.memory_space<vmem>> -> memref<1x64x128xf32, #tpu.memory_space<vmem>>
    %dma_start3A_48 = tpu.memref_squeeze %dma_start3A_47 : memref<1x64x128xf32, #tpu.memory_space<vmem>> -> memref<64x128xf32, #tpu.memory_space<vmem>>
    %dma_start3A_49 = arith.constant 256 : i32
    %dma_start3A_50 = tpu.memref_slice %arg6[%dma_start3A_49] : memref<25600xi32, #tpu.memory_space<vmem>> -> memref<64xi32, #tpu.memory_space<vmem>>
    %dma_start3A_51 = arith.constant 0 : i32
    %dma_start3A_52 = arith.constant 0 : i32
    %dma_start3A_53 = tpu.memref_slice %arg5[%dma_start3A_51, %dma_start3A_52] : memref<119x128xf32, #tpu.memory_space<vmem_shared>> -> memref<119x128xf32, #tpu.memory_space<vmem_shared>>
    tpu.enqueue_indirect_dma source(%dma_start3A_53 : memref<119x128xf32, #tpu.memory_space<vmem_shared>>) target(%dma_start3A_48 : memref<64x128xf32, #tpu.memory_space<vmem>>) offsets(%dma_start3A_50 : memref<64xi32, #tpu.memory_space<vmem>>) semaphore(%arg12 : memref<!tpu.dma_semaphore, #tpu.memory_space<semaphore_mem>>)
    %dma_start3A_54 = arith.constant 5 : i32
    %dma_start3A_55 = arith.constant 0 : i32
    %dma_start3A_56 = arith.constant 0 : i32
    %dma_start3A_57 = tpu.memref_slice %arg7[%dma_start3A_54, %dma_start3A_55, %dma_start3A_56] : memref<10x64x128xf32, #tpu.memory_space<vmem>> -> memref<1x64x128xf32, #tpu.memory_space<vmem>>
    %dma_start3A_58 = tpu.memref_squeeze %dma_start3A_57 : memref<1x64x128xf32, #tpu.memory_space<vmem>> -> memref<64x128xf32, #tpu.memory_space<vmem>>
    %dma_start3A_59 = arith.constant 320 : i32
    %dma_start3A_60 = tpu.memref_slice %arg6[%dma_start3A_59] : memref<25600xi32, #tpu.memory_space<vmem>> -> memref<64xi32, #tpu.memory_space<vmem>>
    %dma_start3A_61 = arith.constant 0 : i32
    %dma_start3A_62 = arith.constant 0 : i32
    %dma_start3A_63 = tpu.memref_slice %arg5[%dma_start3A_61, %dma_start3A_62] : memref<119x128xf32, #tpu.memory_space<vmem_shared>> -> memref<119x128xf32, #tpu.memory_space<vmem_shared>>
    tpu.enqueue_indirect_dma source(%dma_start3A_63 : memref<119x128xf32, #tpu.memory_space<vmem_shared>>) target(%dma_start3A_58 : memref<64x128xf32, #tpu.memory_space<vmem>>) offsets(%dma_start3A_60 : memref<64xi32, #tpu.memory_space<vmem>>) semaphore(%arg13 : memref<!tpu.dma_semaphore, #tpu.memory_space<semaphore_mem>>)
    %scan3A = arith.constant 0 : i32
    %scan3A_64 = arith.constant 0 : i32
    %scan3A_65 = arith.constant 40 : i32
    %scan3A_66 = arith.addi %scan3A_64, %scan3A_65 : i32
    %scan3A_67 = arith.constant 1 : i32
    scf.for %scan3A_128 = %scan3A_64 to %scan3A_66 step %scan3A_67  : i32 {
      %mul3A_129 = arith.constant 10 : i32
      %mul3A_130 = arith.muli %scan3A_128, %mul3A_129 : i32
      %add3A_131 = arith.constant 0 : i32
      %add3A_132 = arith.addi %mul3A_130, %add3A_131 : i32
      %ge3A = arith.constant 4 : i32
      %ge3A_133 = arith.cmpi sge, %add3A_132, %ge3A : i32
      %convert_element_type3A_134 = arith.extui %ge3A_133 : i1 to i32
      %cond3A_135 = arith.constant 0 : i32
      %cond3A_136 = arith.cmpi ne, %convert_element_type3A_134, %cond3A_135 : i32
      scf.if %cond3A_136 {
        %add3A_557 = arith.constant 6 : i32
        %add3A_558 = arith.addi %add3A_132, %add3A_557 : i32
        %sub3A = arith.constant 10 : i32
        %sub3A_559 = arith.subi %add3A_558, %sub3A : i32
        %mul3A_560 = arith.constant 64 : i32
        %mul3A_561 = arith.muli %sub3A_559, %mul3A_560 : i32
        %add3A_562 = arith.addi %mul3A_2, %mul3A_561 : i32
        %dma_wait3A_563 = arith.constant 6 : i32
        %dma_wait3A_564 = arith.constant 0 : i32
        %dma_wait3A_565 = arith.constant 0 : i32
        %dma_wait3A_566 = tpu.memref_slice %arg7[%dma_wait3A_563, %dma_wait3A_564, %dma_wait3A_565] : memref<10x64x128xf32, #tpu.memory_space<vmem>> -> memref<1x64x128xf32, #tpu.memory_space<vmem>>
        %dma_wait3A_567 = tpu.memref_squeeze %dma_wait3A_566 : memref<1x64x128xf32, #tpu.memory_space<vmem>> -> memref<64x128xf32, #tpu.memory_space<vmem>>
        %dma_wait3A_568 = arith.constant 0 : i32
        %dma_wait3A_569 = tpu.memref_slice %arg4[%add3A_562, %dma_wait3A_568] : memref<819200x128xf32, #tpu.memory_space<hbm>> -> memref<64x128xf32, #tpu.memory_space<hbm>>
        %dma_wait3A_570 = arith.constant 0 : i32
        %dma_wait3A_571 = tpu.memref_slice %arg4[%add3A_562, %dma_wait3A_570] : memref<819200x128xf32, #tpu.memory_space<hbm>> -> memref<64x128xf32, #tpu.memory_space<hbm>>
        %dma_wait3A_572 = arith.constant 0 : i32
        %dma_wait3A_573 = arith.constant 0 : i32
        %dma_wait3A_574 = tpu.memref_slice %arg7[%dma_wait3A_563, %dma_wait3A_572, %dma_wait3A_573] : memref<10x64x128xf32, #tpu.memory_space<vmem>> -> memref<1x64x128xf32, #tpu.memory_space<vmem>>
        %dma_wait3A_575 = tpu.memref_squeeze %dma_wait3A_574 : memref<1x64x128xf32, #tpu.memory_space<vmem>> -> memref<64x128xf32, #tpu.memory_space<vmem>>
        tpu.wait_dma2 semaphore(%arg24 : memref<!tpu.dma_semaphore, #tpu.memory_space<semaphore_mem>>) src(%dma_wait3A_575 : memref<64x128xf32, #tpu.memory_space<vmem>>) dst(%dma_wait3A_571 : memref<64x128xf32, #tpu.memory_space<hbm>>)
      } else {
      }
      %add3A_137 = arith.constant 6 : i32
      %add3A_138 = arith.addi %add3A_132, %add3A_137 : i32
      %lt3A = arith.constant 400 : i32
      %lt3A_139 = arith.cmpi slt, %add3A_138, %lt3A : i32
      %convert_element_type3A_140 = arith.extui %lt3A_139 : i1 to i32
      %cond3A_141 = arith.constant 0 : i32
      %cond3A_142 = arith.cmpi ne, %convert_element_type3A_140, %cond3A_141 : i32
      scf.if %cond3A_142 {
        %add3A_557 = arith.constant 6 : i32
        %add3A_558 = arith.addi %add3A_132, %add3A_557 : i32
        %mul3A_559 = arith.constant 64 : i32
        %mul3A_560 = arith.muli %add3A_558, %mul3A_559 : i32
        %dma_start3A_561 = arith.constant 6 : i32
        %dma_start3A_562 = arith.constant 0 : i32
        %dma_start3A_563 = arith.constant 0 : i32
        %dma_start3A_564 = tpu.memref_slice %arg7[%dma_start3A_561, %dma_start3A_562, %dma_start3A_563] : memref<10x64x128xf32, #tpu.memory_space<vmem>> -> memref<1x64x128xf32, #tpu.memory_space<vmem>>
        %dma_start3A_565 = tpu.memref_squeeze %dma_start3A_564 : memref<1x64x128xf32, #tpu.memory_space<vmem>> -> memref<64x128xf32, #tpu.memory_space<vmem>>
        %dma_start3A_566 = tpu.memref_slice %arg6[%mul3A_560] : memref<25600xi32, #tpu.memory_space<vmem>> -> memref<64xi32, #tpu.memory_space<vmem>>
        %dma_start3A_567 = arith.constant 0 : i32
        %dma_start3A_568 = arith.constant 0 : i32
        %dma_start3A_569 = tpu.memref_slice %arg5[%dma_start3A_567, %dma_start3A_568] : memref<119x128xf32, #tpu.memory_space<vmem_shared>> -> memref<119x128xf32, #tpu.memory_space<vmem_shared>>
        tpu.enqueue_indirect_dma source(%dma_start3A_569 : memref<119x128xf32, #tpu.memory_space<vmem_shared>>) target(%dma_start3A_565 : memref<64x128xf32, #tpu.memory_space<vmem>>) offsets(%dma_start3A_566 : memref<64xi32, #tpu.memory_space<vmem>>) semaphore(%arg14 : memref<!tpu.dma_semaphore, #tpu.memory_space<semaphore_mem>>)
      } else {
      }
      %mul3A_143 = arith.constant 64 : i32
      %mul3A_144 = arith.muli %add3A_132, %mul3A_143 : i32
      %dma_wait3A_145 = arith.constant 0 : i32
      %dma_wait3A_146 = arith.constant 0 : i32
      %dma_wait3A_147 = arith.constant 0 : i32
      %dma_wait3A_148 = tpu.memref_slice %arg7[%dma_wait3A_145, %dma_wait3A_146, %dma_wait3A_147] : memref<10x64x128xf32, #tpu.memory_space<vmem>> -> memref<1x64x128xf32, #tpu.memory_space<vmem>>
      %dma_wait3A_149 = tpu.memref_squeeze %dma_wait3A_148 : memref<1x64x128xf32, #tpu.memory_space<vmem>> -> memref<64x128xf32, #tpu.memory_space<vmem>>
      %dma_wait3A_150 = tpu.memref_slice %arg6[%mul3A_144] : memref<25600xi32, #tpu.memory_space<vmem>> -> memref<64xi32, #tpu.memory_space<vmem>>
      %dma_wait3A_151 = arith.constant 0 : i32
      %dma_wait3A_152 = arith.constant 0 : i32
      %dma_wait3A_153 = tpu.memref_slice %arg5[%dma_wait3A_151, %dma_wait3A_152] : memref<119x128xf32, #tpu.memory_space<vmem_shared>> -> memref<119x128xf32, #tpu.memory_space<vmem_shared>>
      tpu.wait_indirect_dma semaphore(%arg8 : memref<!tpu.dma_semaphore, #tpu.memory_space<semaphore_mem>>) src(%dma_wait3A_153 : memref<119x128xf32, #tpu.memory_space<vmem_shared>>) dst(%dma_wait3A_149 : memref<64x128xf32, #tpu.memory_space<vmem>>)
      %mul3A_154 = arith.constant 64 : i32
      %mul3A_155 = arith.muli %add3A_132, %mul3A_154 : i32
      %add3A_156 = arith.addi %mul3A_2, %mul3A_155 : i32
      %dma_start3A_157 = arith.constant 0 : i32
      %dma_start3A_158 = arith.constant 0 : i32
      %dma_start3A_159 = arith.constant 0 : i32
      %dma_start3A_160 = tpu.memref_slice %arg7[%dma_start3A_157, %dma_start3A_158, %dma_start3A_159] : memref<10x64x128xf32, #tpu.memory_space<vmem>> -> memref<1x64x128xf32, #tpu.memory_space<vmem>>
      %dma_start3A_161 = tpu.memref_squeeze %dma_start3A_160 : memref<1x64x128xf32, #tpu.memory_space<vmem>> -> memref<64x128xf32, #tpu.memory_space<vmem>>
      %dma_start3A_162 = arith.constant 0 : i32
      %dma_start3A_163 = tpu.memref_slice %arg4[%add3A_156, %dma_start3A_162] : memref<819200x128xf32, #tpu.memory_space<hbm>> -> memref<64x128xf32, #tpu.memory_space<hbm>>
      %dma_start3A_164 = arith.constant 0 : i32
      %dma_start3A_165 = tpu.memref_slice %arg4[%add3A_156, %dma_start3A_164] : memref<819200x128xf32, #tpu.memory_space<hbm>> -> memref<64x128xf32, #tpu.memory_space<hbm>>
      %dma_start3A_166 = arith.constant 0 : i32
      %dma_start3A_167 = arith.constant 0 : i32
      %dma_start3A_168 = tpu.memref_slice %arg7[%dma_start3A_157, %dma_start3A_166, %dma_start3A_167] : memref<10x64x128xf32, #tpu.memory_space<vmem>> -> memref<1x64x128xf32, #tpu.memory_space<vmem>>
      %dma_start3A_169 = tpu.memref_squeeze %dma_start3A_168 : memref<1x64x128xf32, #tpu.memory_space<vmem>> -> memref<64x128xf32, #tpu.memory_space<vmem>>
      tpu.enqueue_dma source(%dma_start3A_169 : memref<64x128xf32, #tpu.memory_space<vmem>>) target(%dma_start3A_165 : memref<64x128xf32, #tpu.memory_space<hbm>>) target_semaphore(%arg18 : memref<!tpu.dma_semaphore, #tpu.memory_space<semaphore_mem>>)
      %mul3A_170 = arith.constant 10 : i32
      %mul3A_171 = arith.muli %scan3A_128, %mul3A_170 : i32
      %add3A_172 = arith.constant 1 : i32
      %add3A_173 = arith.addi %mul3A_171, %add3A_172 : i32
      %ge3A_174 = arith.constant 4 : i32
      %ge3A_175 = arith.cmpi sge, %add3A_173, %ge3A_174 : i32
      %convert_element_type3A_176 = arith.extui %ge3A_175 : i1 to i32
      %cond3A_177 = arith.constant 0 : i32
      %cond3A_178 = arith.cmpi ne, %convert_element_type3A_176, %cond3A_177 : i32
      scf.if %cond3A_178 {
        %add3A_557 = arith.constant 6 : i32
        %add3A_558 = arith.addi %add3A_173, %add3A_557 : i32
        %sub3A = arith.constant 10 : i32
        %sub3A_559 = arith.subi %add3A_558, %sub3A : i32
        %mul3A_560 = arith.constant 64 : i32
        %mul3A_561 = arith.muli %sub3A_559, %mul3A_560 : i32
        %add3A_562 = arith.addi %mul3A_2, %mul3A_561 : i32
        %dma_wait3A_563 = arith.constant 7 : i32
        %dma_wait3A_564 = arith.constant 0 : i32
        %dma_wait3A_565 = arith.constant 0 : i32
        %dma_wait3A_566 = tpu.memref_slice %arg7[%dma_wait3A_563, %dma_wait3A_564, %dma_wait3A_565] : memref<10x64x128xf32, #tpu.memory_space<vmem>> -> memref<1x64x128xf32, #tpu.memory_space<vmem>>
        %dma_wait3A_567 = tpu.memref_squeeze %dma_wait3A_566 : memref<1x64x128xf32, #tpu.memory_space<vmem>> -> memref<64x128xf32, #tpu.memory_space<vmem>>
        %dma_wait3A_568 = arith.constant 0 : i32
        %dma_wait3A_569 = tpu.memref_slice %arg4[%add3A_562, %dma_wait3A_568] : memref<819200x128xf32, #tpu.memory_space<hbm>> -> memref<64x128xf32, #tpu.memory_space<hbm>>
        %dma_wait3A_570 = arith.constant 0 : i32
        %dma_wait3A_571 = tpu.memref_slice %arg4[%add3A_562, %dma_wait3A_570] : memref<819200x128xf32, #tpu.memory_space<hbm>> -> memref<64x128xf32, #tpu.memory_space<hbm>>
        %dma_wait3A_572 = arith.constant 0 : i32
        %dma_wait3A_573 = arith.constant 0 : i32
        %dma_wait3A_574 = tpu.memref_slice %arg7[%dma_wait3A_563, %dma_wait3A_572, %dma_wait3A_573] : memref<10x64x128xf32, #tpu.memory_space<vmem>> -> memref<1x64x128xf32, #tpu.memory_space<vmem>>
        %dma_wait3A_575 = tpu.memref_squeeze %dma_wait3A_574 : memref<1x64x128xf32, #tpu.memory_space<vmem>> -> memref<64x128xf32, #tpu.memory_space<vmem>>
        tpu.wait_dma2 semaphore(%arg25 : memref<!tpu.dma_semaphore, #tpu.memory_space<semaphore_mem>>) src(%dma_wait3A_575 : memref<64x128xf32, #tpu.memory_space<vmem>>) dst(%dma_wait3A_571 : memref<64x128xf32, #tpu.memory_space<hbm>>)
      } else {
      }
      %add3A_179 = arith.constant 6 : i32
      %add3A_180 = arith.addi %add3A_173, %add3A_179 : i32
      %lt3A_181 = arith.constant 400 : i32
      %lt3A_182 = arith.cmpi slt, %add3A_180, %lt3A_181 : i32
      %convert_element_type3A_183 = arith.extui %lt3A_182 : i1 to i32
      %cond3A_184 = arith.constant 0 : i32
      %cond3A_185 = arith.cmpi ne, %convert_element_type3A_183, %cond3A_184 : i32
      scf.if %cond3A_185 {
        %add3A_557 = arith.constant 6 : i32
        %add3A_558 = arith.addi %add3A_173, %add3A_557 : i32
        %mul3A_559 = arith.constant 64 : i32
        %mul3A_560 = arith.muli %add3A_558, %mul3A_559 : i32
        %dma_start3A_561 = arith.constant 7 : i32
        %dma_start3A_562 = arith.constant 0 : i32
        %dma_start3A_563 = arith.constant 0 : i32
        %dma_start3A_564 = tpu.memref_slice %arg7[%dma_start3A_561, %dma_start3A_562, %dma_start3A_563] : memref<10x64x128xf32, #tpu.memory_space<vmem>> -> memref<1x64x128xf32, #tpu.memory_space<vmem>>
        %dma_start3A_565 = tpu.memref_squeeze %dma_start3A_564 : memref<1x64x128xf32, #tpu.memory_space<vmem>> -> memref<64x128xf32, #tpu.memory_space<vmem>>
        %dma_start3A_566 = tpu.memref_slice %arg6[%mul3A_560] : memref<25600xi32, #tpu.memory_space<vmem>> -> memref<64xi32, #tpu.memory_space<vmem>>
        %dma_start3A_567 = arith.constant 0 : i32
        %dma_start3A_568 = arith.constant 0 : i32
        %dma_start3A_569 = tpu.memref_slice %arg5[%dma_start3A_567, %dma_start3A_568] : memref<119x128xf32, #tpu.memory_space<vmem_shared>> -> memref<119x128xf32, #tpu.memory_space<vmem_shared>>
        tpu.enqueue_indirect_dma source(%dma_start3A_569 : memref<119x128xf32, #tpu.memory_space<vmem_shared>>) target(%dma_start3A_565 : memref<64x128xf32, #tpu.memory_space<vmem>>) offsets(%dma_start3A_566 : memref<64xi32, #tpu.memory_space<vmem>>) semaphore(%arg15 : memref<!tpu.dma_semaphore, #tpu.memory_space<semaphore_mem>>)
      } else {
      }
      %mul3A_186 = arith.constant 64 : i32
      %mul3A_187 = arith.muli %add3A_173, %mul3A_186 : i32
      %dma_wait3A_188 = arith.constant 1 : i32
      %dma_wait3A_189 = arith.constant 0 : i32
      %dma_wait3A_190 = arith.constant 0 : i32
      %dma_wait3A_191 = tpu.memref_slice %arg7[%dma_wait3A_188, %dma_wait3A_189, %dma_wait3A_190] : memref<10x64x128xf32, #tpu.memory_space<vmem>> -> memref<1x64x128xf32, #tpu.memory_space<vmem>>
      %dma_wait3A_192 = tpu.memref_squeeze %dma_wait3A_191 : memref<1x64x128xf32, #tpu.memory_space<vmem>> -> memref<64x128xf32, #tpu.memory_space<vmem>>
      %dma_wait3A_193 = tpu.memref_slice %arg6[%mul3A_187] : memref<25600xi32, #tpu.memory_space<vmem>> -> memref<64xi32, #tpu.memory_space<vmem>>
      %dma_wait3A_194 = arith.constant 0 : i32
      %dma_wait3A_195 = arith.constant 0 : i32
      %dma_wait3A_196 = tpu.memref_slice %arg5[%dma_wait3A_194, %dma_wait3A_195] : memref<119x128xf32, #tpu.memory_space<vmem_shared>> -> memref<119x128xf32, #tpu.memory_space<vmem_shared>>
      tpu.wait_indirect_dma semaphore(%arg9 : memref<!tpu.dma_semaphore, #tpu.memory_space<semaphore_mem>>) src(%dma_wait3A_196 : memref<119x128xf32, #tpu.memory_space<vmem_shared>>) dst(%dma_wait3A_192 : memref<64x128xf32, #tpu.memory_space<vmem>>)
      %mul3A_197 = arith.constant 64 : i32
      %mul3A_198 = arith.muli %add3A_173, %mul3A_197 : i32
      %add3A_199 = arith.addi %mul3A_2, %mul3A_198 : i32
      %dma_start3A_200 = arith.constant 1 : i32
      %dma_start3A_201 = arith.constant 0 : i32
      %dma_start3A_202 = arith.constant 0 : i32
      %dma_start3A_203 = tpu.memref_slice %arg7[%dma_start3A_200, %dma_start3A_201, %dma_start3A_202] : memref<10x64x128xf32, #tpu.memory_space<vmem>> -> memref<1x64x128xf32, #tpu.memory_space<vmem>>
      %dma_start3A_204 = tpu.memref_squeeze %dma_start3A_203 : memref<1x64x128xf32, #tpu.memory_space<vmem>> -> memref<64x128xf32, #tpu.memory_space<vmem>>
      %dma_start3A_205 = arith.constant 0 : i32
      %dma_start3A_206 = tpu.memref_slice %arg4[%add3A_199, %dma_start3A_205] : memref<819200x128xf32, #tpu.memory_space<hbm>> -> memref<64x128xf32, #tpu.memory_space<hbm>>
      %dma_start3A_207 = arith.constant 0 : i32
      %dma_start3A_208 = tpu.memref_slice %arg4[%add3A_199, %dma_start3A_207] : memref<819200x128xf32, #tpu.memory_space<hbm>> -> memref<64x128xf32, #tpu.memory_space<hbm>>
      %dma_start3A_209 = arith.constant 0 : i32
      %dma_start3A_210 = arith.constant 0 : i32
      %dma_start3A_211 = tpu.memref_slice %arg7[%dma_start3A_200, %dma_start3A_209, %dma_start3A_210] : memref<10x64x128xf32, #tpu.memory_space<vmem>> -> memref<1x64x128xf32, #tpu.memory_space<vmem>>
      %dma_start3A_212 = tpu.memref_squeeze %dma_start3A_211 : memref<1x64x128xf32, #tpu.memory_space<vmem>> -> memref<64x128xf32, #tpu.memory_space<vmem>>
      tpu.enqueue_dma source(%dma_start3A_212 : memref<64x128xf32, #tpu.memory_space<vmem>>) target(%dma_start3A_208 : memref<64x128xf32, #tpu.memory_space<hbm>>) target_semaphore(%arg19 : memref<!tpu.dma_semaphore, #tpu.memory_space<semaphore_mem>>)
      %mul3A_213 = arith.constant 10 : i32
      %mul3A_214 = arith.muli %scan3A_128, %mul3A_213 : i32
      %add3A_215 = arith.constant 2 : i32
      %add3A_216 = arith.addi %mul3A_214, %add3A_215 : i32
      %ge3A_217 = arith.constant 4 : i32
      %ge3A_218 = arith.cmpi sge, %add3A_216, %ge3A_217 : i32
      %convert_element_type3A_219 = arith.extui %ge3A_218 : i1 to i32
      %cond3A_220 = arith.constant 0 : i32
      %cond3A_221 = arith.cmpi ne, %convert_element_type3A_219, %cond3A_220 : i32
      scf.if %cond3A_221 {
        %add3A_557 = arith.constant 6 : i32
        %add3A_558 = arith.addi %add3A_216, %add3A_557 : i32
        %sub3A = arith.constant 10 : i32
        %sub3A_559 = arith.subi %add3A_558, %sub3A : i32
        %mul3A_560 = arith.constant 64 : i32
        %mul3A_561 = arith.muli %sub3A_559, %mul3A_560 : i32
        %add3A_562 = arith.addi %mul3A_2, %mul3A_561 : i32
        %dma_wait3A_563 = arith.constant 8 : i32
        %dma_wait3A_564 = arith.constant 0 : i32
        %dma_wait3A_565 = arith.constant 0 : i32
        %dma_wait3A_566 = tpu.memref_slice %arg7[%dma_wait3A_563, %dma_wait3A_564, %dma_wait3A_565] : memref<10x64x128xf32, #tpu.memory_space<vmem>> -> memref<1x64x128xf32, #tpu.memory_space<vmem>>
        %dma_wait3A_567 = tpu.memref_squeeze %dma_wait3A_566 : memref<1x64x128xf32, #tpu.memory_space<vmem>> -> memref<64x128xf32, #tpu.memory_space<vmem>>
        %dma_wait3A_568 = arith.constant 0 : i32
        %dma_wait3A_569 = tpu.memref_slice %arg4[%add3A_562, %dma_wait3A_568] : memref<819200x128xf32, #tpu.memory_space<hbm>> -> memref<64x128xf32, #tpu.memory_space<hbm>>
        %dma_wait3A_570 = arith.constant 0 : i32
        %dma_wait3A_571 = tpu.memref_slice %arg4[%add3A_562, %dma_wait3A_570] : memref<819200x128xf32, #tpu.memory_space<hbm>> -> memref<64x128xf32, #tpu.memory_space<hbm>>
        %dma_wait3A_572 = arith.constant 0 : i32
        %dma_wait3A_573 = arith.constant 0 : i32
        %dma_wait3A_574 = tpu.memref_slice %arg7[%dma_wait3A_563, %dma_wait3A_572, %dma_wait3A_573] : memref<10x64x128xf32, #tpu.memory_space<vmem>> -> memref<1x64x128xf32, #tpu.memory_space<vmem>>
        %dma_wait3A_575 = tpu.memref_squeeze %dma_wait3A_574 : memref<1x64x128xf32, #tpu.memory_space<vmem>> -> memref<64x128xf32, #tpu.memory_space<vmem>>
        tpu.wait_dma2 semaphore(%arg26 : memref<!tpu.dma_semaphore, #tpu.memory_space<semaphore_mem>>) src(%dma_wait3A_575 : memref<64x128xf32, #tpu.memory_space<vmem>>) dst(%dma_wait3A_571 : memref<64x128xf32, #tpu.memory_space<hbm>>)
      } else {
      }
      %add3A_222 = arith.constant 6 : i32
      %add3A_223 = arith.addi %add3A_216, %add3A_222 : i32
      %lt3A_224 = arith.constant 400 : i32
      %lt3A_225 = arith.cmpi slt, %add3A_223, %lt3A_224 : i32
      %convert_element_type3A_226 = arith.extui %lt3A_225 : i1 to i32
      %cond3A_227 = arith.constant 0 : i32
      %cond3A_228 = arith.cmpi ne, %convert_element_type3A_226, %cond3A_227 : i32
      scf.if %cond3A_228 {
        %add3A_557 = arith.constant 6 : i32
        %add3A_558 = arith.addi %add3A_216, %add3A_557 : i32
        %mul3A_559 = arith.constant 64 : i32
        %mul3A_560 = arith.muli %add3A_558, %mul3A_559 : i32
        %dma_start3A_561 = arith.constant 8 : i32
        %dma_start3A_562 = arith.constant 0 : i32
        %dma_start3A_563 = arith.constant 0 : i32
        %dma_start3A_564 = tpu.memref_slice %arg7[%dma_start3A_561, %dma_start3A_562, %dma_start3A_563] : memref<10x64x128xf32, #tpu.memory_space<vmem>> -> memref<1x64x128xf32, #tpu.memory_space<vmem>>
        %dma_start3A_565 = tpu.memref_squeeze %dma_start3A_564 : memref<1x64x128xf32, #tpu.memory_space<vmem>> -> memref<64x128xf32, #tpu.memory_space<vmem>>
        %dma_start3A_566 = tpu.memref_slice %arg6[%mul3A_560] : memref<25600xi32, #tpu.memory_space<vmem>> -> memref<64xi32, #tpu.memory_space<vmem>>
        %dma_start3A_567 = arith.constant 0 : i32
        %dma_start3A_568 = arith.constant 0 : i32
        %dma_start3A_569 = tpu.memref_slice %arg5[%dma_start3A_567, %dma_start3A_568] : memref<119x128xf32, #tpu.memory_space<vmem_shared>> -> memref<119x128xf32, #tpu.memory_space<vmem_shared>>
        tpu.enqueue_indirect_dma source(%dma_start3A_569 : memref<119x128xf32, #tpu.memory_space<vmem_shared>>) target(%dma_start3A_565 : memref<64x128xf32, #tpu.memory_space<vmem>>) offsets(%dma_start3A_566 : memref<64xi32, #tpu.memory_space<vmem>>) semaphore(%arg16 : memref<!tpu.dma_semaphore, #tpu.memory_space<semaphore_mem>>)
      } else {
      }
      %mul3A_229 = arith.constant 64 : i32
      %mul3A_230 = arith.muli %add3A_216, %mul3A_229 : i32
      %dma_wait3A_231 = arith.constant 2 : i32
      %dma_wait3A_232 = arith.constant 0 : i32
      %dma_wait3A_233 = arith.constant 0 : i32
      %dma_wait3A_234 = tpu.memref_slice %arg7[%dma_wait3A_231, %dma_wait3A_232, %dma_wait3A_233] : memref<10x64x128xf32, #tpu.memory_space<vmem>> -> memref<1x64x128xf32, #tpu.memory_space<vmem>>
      %dma_wait3A_235 = tpu.memref_squeeze %dma_wait3A_234 : memref<1x64x128xf32, #tpu.memory_space<vmem>> -> memref<64x128xf32, #tpu.memory_space<vmem>>
      %dma_wait3A_236 = tpu.memref_slice %arg6[%mul3A_230] : memref<25600xi32, #tpu.memory_space<vmem>> -> memref<64xi32, #tpu.memory_space<vmem>>
      %dma_wait3A_237 = arith.constant 0 : i32
      %dma_wait3A_238 = arith.constant 0 : i32
      %dma_wait3A_239 = tpu.memref_slice %arg5[%dma_wait3A_237, %dma_wait3A_238] : memref<119x128xf32, #tpu.memory_space<vmem_shared>> -> memref<119x128xf32, #tpu.memory_space<vmem_shared>>
      tpu.wait_indirect_dma semaphore(%arg10 : memref<!tpu.dma_semaphore, #tpu.memory_space<semaphore_mem>>) src(%dma_wait3A_239 : memref<119x128xf32, #tpu.memory_space<vmem_shared>>) dst(%dma_wait3A_235 : memref<64x128xf32, #tpu.memory_space<vmem>>)
      %mul3A_240 = arith.constant 64 : i32
      %mul3A_241 = arith.muli %add3A_216, %mul3A_240 : i32
      %add3A_242 = arith.addi %mul3A_2, %mul3A_241 : i32
      %dma_start3A_243 = arith.constant 2 : i32
      %dma_start3A_244 = arith.constant 0 : i32
      %dma_start3A_245 = arith.constant 0 : i32
      %dma_start3A_246 = tpu.memref_slice %arg7[%dma_start3A_243, %dma_start3A_244, %dma_start3A_245] : memref<10x64x128xf32, #tpu.memory_space<vmem>> -> memref<1x64x128xf32, #tpu.memory_space<vmem>>
      %dma_start3A_247 = tpu.memref_squeeze %dma_start3A_246 : memref<1x64x128xf32, #tpu.memory_space<vmem>> -> memref<64x128xf32, #tpu.memory_space<vmem>>
      %dma_start3A_248 = arith.constant 0 : i32
      %dma_start3A_249 = tpu.memref_slice %arg4[%add3A_242, %dma_start3A_248] : memref<819200x128xf32, #tpu.memory_space<hbm>> -> memref<64x128xf32, #tpu.memory_space<hbm>>
      %dma_start3A_250 = arith.constant 0 : i32
      %dma_start3A_251 = tpu.memref_slice %arg4[%add3A_242, %dma_start3A_250] : memref<819200x128xf32, #tpu.memory_space<hbm>> -> memref<64x128xf32, #tpu.memory_space<hbm>>
      %dma_start3A_252 = arith.constant 0 : i32
      %dma_start3A_253 = arith.constant 0 : i32
      %dma_start3A_254 = tpu.memref_slice %arg7[%dma_start3A_243, %dma_start3A_252, %dma_start3A_253] : memref<10x64x128xf32, #tpu.memory_space<vmem>> -> memref<1x64x128xf32, #tpu.memory_space<vmem>>
      %dma_start3A_255 = tpu.memref_squeeze %dma_start3A_254 : memref<1x64x128xf32, #tpu.memory_space<vmem>> -> memref<64x128xf32, #tpu.memory_space<vmem>>
      tpu.enqueue_dma source(%dma_start3A_255 : memref<64x128xf32, #tpu.memory_space<vmem>>) target(%dma_start3A_251 : memref<64x128xf32, #tpu.memory_space<hbm>>) target_semaphore(%arg20 : memref<!tpu.dma_semaphore, #tpu.memory_space<semaphore_mem>>)
      %mul3A_256 = arith.constant 10 : i32
      %mul3A_257 = arith.muli %scan3A_128, %mul3A_256 : i32
      %add3A_258 = arith.constant 3 : i32
      %add3A_259 = arith.addi %mul3A_257, %add3A_258 : i32
      %ge3A_260 = arith.constant 4 : i32
      %ge3A_261 = arith.cmpi sge, %add3A_259, %ge3A_260 : i32
      %convert_element_type3A_262 = arith.extui %ge3A_261 : i1 to i32
      %cond3A_263 = arith.constant 0 : i32
      %cond3A_264 = arith.cmpi ne, %convert_element_type3A_262, %cond3A_263 : i32
      scf.if %cond3A_264 {
        %add3A_557 = arith.constant 6 : i32
        %add3A_558 = arith.addi %add3A_259, %add3A_557 : i32
        %sub3A = arith.constant 10 : i32
        %sub3A_559 = arith.subi %add3A_558, %sub3A : i32
        %mul3A_560 = arith.constant 64 : i32
        %mul3A_561 = arith.muli %sub3A_559, %mul3A_560 : i32
        %add3A_562 = arith.addi %mul3A_2, %mul3A_561 : i32
        %dma_wait3A_563 = arith.constant 9 : i32
        %dma_wait3A_564 = arith.constant 0 : i32
        %dma_wait3A_565 = arith.constant 0 : i32
        %dma_wait3A_566 = tpu.memref_slice %arg7[%dma_wait3A_563, %dma_wait3A_564, %dma_wait3A_565] : memref<10x64x128xf32, #tpu.memory_space<vmem>> -> memref<1x64x128xf32, #tpu.memory_space<vmem>>
        %dma_wait3A_567 = tpu.memref_squeeze %dma_wait3A_566 : memref<1x64x128xf32, #tpu.memory_space<vmem>> -> memref<64x128xf32, #tpu.memory_space<vmem>>
        %dma_wait3A_568 = arith.constant 0 : i32
        %dma_wait3A_569 = tpu.memref_slice %arg4[%add3A_562, %dma_wait3A_568] : memref<819200x128xf32, #tpu.memory_space<hbm>> -> memref<64x128xf32, #tpu.memory_space<hbm>>
        %dma_wait3A_570 = arith.constant 0 : i32
        %dma_wait3A_571 = tpu.memref_slice %arg4[%add3A_562, %dma_wait3A_570] : memref<819200x128xf32, #tpu.memory_space<hbm>> -> memref<64x128xf32, #tpu.memory_space<hbm>>
        %dma_wait3A_572 = arith.constant 0 : i32
        %dma_wait3A_573 = arith.constant 0 : i32
        %dma_wait3A_574 = tpu.memref_slice %arg7[%dma_wait3A_563, %dma_wait3A_572, %dma_wait3A_573] : memref<10x64x128xf32, #tpu.memory_space<vmem>> -> memref<1x64x128xf32, #tpu.memory_space<vmem>>
        %dma_wait3A_575 = tpu.memref_squeeze %dma_wait3A_574 : memref<1x64x128xf32, #tpu.memory_space<vmem>> -> memref<64x128xf32, #tpu.memory_space<vmem>>
        tpu.wait_dma2 semaphore(%arg27 : memref<!tpu.dma_semaphore, #tpu.memory_space<semaphore_mem>>) src(%dma_wait3A_575 : memref<64x128xf32, #tpu.memory_space<vmem>>) dst(%dma_wait3A_571 : memref<64x128xf32, #tpu.memory_space<hbm>>)
      } else {
      }
      %add3A_265 = arith.constant 6 : i32
      %add3A_266 = arith.addi %add3A_259, %add3A_265 : i32
      %lt3A_267 = arith.constant 400 : i32
      %lt3A_268 = arith.cmpi slt, %add3A_266, %lt3A_267 : i32
      %convert_element_type3A_269 = arith.extui %lt3A_268 : i1 to i32
      %cond3A_270 = arith.constant 0 : i32
      %cond3A_271 = arith.cmpi ne, %convert_element_type3A_269, %cond3A_270 : i32
      scf.if %cond3A_271 {
        %add3A_557 = arith.constant 6 : i32
        %add3A_558 = arith.addi %add3A_259, %add3A_557 : i32
        %mul3A_559 = arith.constant 64 : i32
        %mul3A_560 = arith.muli %add3A_558, %mul3A_559 : i32
        %dma_start3A_561 = arith.constant 9 : i32
        %dma_start3A_562 = arith.constant 0 : i32
        %dma_start3A_563 = arith.constant 0 : i32
        %dma_start3A_564 = tpu.memref_slice %arg7[%dma_start3A_561, %dma_start3A_562, %dma_start3A_563] : memref<10x64x128xf32, #tpu.memory_space<vmem>> -> memref<1x64x128xf32, #tpu.memory_space<vmem>>
        %dma_start3A_565 = tpu.memref_squeeze %dma_start3A_564 : memref<1x64x128xf32, #tpu.memory_space<vmem>> -> memref<64x128xf32, #tpu.memory_space<vmem>>
        %dma_start3A_566 = tpu.memref_slice %arg6[%mul3A_560] : memref<25600xi32, #tpu.memory_space<vmem>> -> memref<64xi32, #tpu.memory_space<vmem>>
        %dma_start3A_567 = arith.constant 0 : i32
        %dma_start3A_568 = arith.constant 0 : i32
        %dma_start3A_569 = tpu.memref_slice %arg5[%dma_start3A_567, %dma_start3A_568] : memref<119x128xf32, #tpu.memory_space<vmem_shared>> -> memref<119x128xf32, #tpu.memory_space<vmem_shared>>
        tpu.enqueue_indirect_dma source(%dma_start3A_569 : memref<119x128xf32, #tpu.memory_space<vmem_shared>>) target(%dma_start3A_565 : memref<64x128xf32, #tpu.memory_space<vmem>>) offsets(%dma_start3A_566 : memref<64xi32, #tpu.memory_space<vmem>>) semaphore(%arg17 : memref<!tpu.dma_semaphore, #tpu.memory_space<semaphore_mem>>)
      } else {
      }
      %mul3A_272 = arith.constant 64 : i32
      %mul3A_273 = arith.muli %add3A_259, %mul3A_272 : i32
      %dma_wait3A_274 = arith.constant 3 : i32
      %dma_wait3A_275 = arith.constant 0 : i32
      %dma_wait3A_276 = arith.constant 0 : i32
      %dma_wait3A_277 = tpu.memref_slice %arg7[%dma_wait3A_274, %dma_wait3A_275, %dma_wait3A_276] : memref<10x64x128xf32, #tpu.memory_space<vmem>> -> memref<1x64x128xf32, #tpu.memory_space<vmem>>
      %dma_wait3A_278 = tpu.memref_squeeze %dma_wait3A_277 : memref<1x64x128xf32, #tpu.memory_space<vmem>> -> memref<64x128xf32, #tpu.memory_space<vmem>>
      %dma_wait3A_279 = tpu.memref_slice %arg6[%mul3A_273] : memref<25600xi32, #tpu.memory_space<vmem>> -> memref<64xi32, #tpu.memory_space<vmem>>
      %dma_wait3A_280 = arith.constant 0 : i32
      %dma_wait3A_281 = arith.constant 0 : i32
      %dma_wait3A_282 = tpu.memref_slice %arg5[%dma_wait3A_280, %dma_wait3A_281] : memref<119x128xf32, #tpu.memory_space<vmem_shared>> -> memref<119x128xf32, #tpu.memory_space<vmem_shared>>
      tpu.wait_indirect_dma semaphore(%arg11 : memref<!tpu.dma_semaphore, #tpu.memory_space<semaphore_mem>>) src(%dma_wait3A_282 : memref<119x128xf32, #tpu.memory_space<vmem_shared>>) dst(%dma_wait3A_278 : memref<64x128xf32, #tpu.memory_space<vmem>>)
      %mul3A_283 = arith.constant 64 : i32
      %mul3A_284 = arith.muli %add3A_259, %mul3A_283 : i32
      %add3A_285 = arith.addi %mul3A_2, %mul3A_284 : i32
      %dma_start3A_286 = arith.constant 3 : i32
      %dma_start3A_287 = arith.constant 0 : i32
      %dma_start3A_288 = arith.constant 0 : i32
      %dma_start3A_289 = tpu.memref_slice %arg7[%dma_start3A_286, %dma_start3A_287, %dma_start3A_288] : memref<10x64x128xf32, #tpu.memory_space<vmem>> -> memref<1x64x128xf32, #tpu.memory_space<vmem>>
      %dma_start3A_290 = tpu.memref_squeeze %dma_start3A_289 : memref<1x64x128xf32, #tpu.memory_space<vmem>> -> memref<64x128xf32, #tpu.memory_space<vmem>>
      %dma_start3A_291 = arith.constant 0 : i32
      %dma_start3A_292 = tpu.memref_slice %arg4[%add3A_285, %dma_start3A_291] : memref<819200x128xf32, #tpu.memory_space<hbm>> -> memref<64x128xf32, #tpu.memory_space<hbm>>
      %dma_start3A_293 = arith.constant 0 : i32
      %dma_start3A_294 = tpu.memref_slice %arg4[%add3A_285, %dma_start3A_293] : memref<819200x128xf32, #tpu.memory_space<hbm>> -> memref<64x128xf32, #tpu.memory_space<hbm>>
      %dma_start3A_295 = arith.constant 0 : i32
      %dma_start3A_296 = arith.constant 0 : i32
      %dma_start3A_297 = tpu.memref_slice %arg7[%dma_start3A_286, %dma_start3A_295, %dma_start3A_296] : memref<10x64x128xf32, #tpu.memory_space<vmem>> -> memref<1x64x128xf32, #tpu.memory_space<vmem>>
      %dma_start3A_298 = tpu.memref_squeeze %dma_start3A_297 : memref<1x64x128xf32, #tpu.memory_space<vmem>> -> memref<64x128xf32, #tpu.memory_space<vmem>>
      tpu.enqueue_dma source(%dma_start3A_298 : memref<64x128xf32, #tpu.memory_space<vmem>>) target(%dma_start3A_294 : memref<64x128xf32, #tpu.memory_space<hbm>>) target_semaphore(%arg21 : memref<!tpu.dma_semaphore, #tpu.memory_space<semaphore_mem>>)
      %mul3A_299 = arith.constant 10 : i32
      %mul3A_300 = arith.muli %scan3A_128, %mul3A_299 : i32
      %add3A_301 = arith.constant 4 : i32
      %add3A_302 = arith.addi %mul3A_300, %add3A_301 : i32
      %ge3A_303 = arith.constant 4 : i32
      %ge3A_304 = arith.cmpi sge, %add3A_302, %ge3A_303 : i32
      %convert_element_type3A_305 = arith.extui %ge3A_304 : i1 to i32
      %cond3A_306 = arith.constant 0 : i32
      %cond3A_307 = arith.cmpi ne, %convert_element_type3A_305, %cond3A_306 : i32
      scf.if %cond3A_307 {
        %add3A_557 = arith.constant 6 : i32
        %add3A_558 = arith.addi %add3A_302, %add3A_557 : i32
        %sub3A = arith.constant 10 : i32
        %sub3A_559 = arith.subi %add3A_558, %sub3A : i32
        %mul3A_560 = arith.constant 64 : i32
        %mul3A_561 = arith.muli %sub3A_559, %mul3A_560 : i32
        %add3A_562 = arith.addi %mul3A_2, %mul3A_561 : i32
        %dma_wait3A_563 = arith.constant 0 : i32
        %dma_wait3A_564 = arith.constant 0 : i32
        %dma_wait3A_565 = arith.constant 0 : i32
        %dma_wait3A_566 = tpu.memref_slice %arg7[%dma_wait3A_563, %dma_wait3A_564, %dma_wait3A_565] : memref<10x64x128xf32, #tpu.memory_space<vmem>> -> memref<1x64x128xf32, #tpu.memory_space<vmem>>
        %dma_wait3A_567 = tpu.memref_squeeze %dma_wait3A_566 : memref<1x64x128xf32, #tpu.memory_space<vmem>> -> memref<64x128xf32, #tpu.memory_space<vmem>>
        %dma_wait3A_568 = arith.constant 0 : i32
        %dma_wait3A_569 = tpu.memref_slice %arg4[%add3A_562, %dma_wait3A_568] : memref<819200x128xf32, #tpu.memory_space<hbm>> -> memref<64x128xf32, #tpu.memory_space<hbm>>
        %dma_wait3A_570 = arith.constant 0 : i32
        %dma_wait3A_571 = tpu.memref_slice %arg4[%add3A_562, %dma_wait3A_570] : memref<819200x128xf32, #tpu.memory_space<hbm>> -> memref<64x128xf32, #tpu.memory_space<hbm>>
        %dma_wait3A_572 = arith.constant 0 : i32
        %dma_wait3A_573 = arith.constant 0 : i32
        %dma_wait3A_574 = tpu.memref_slice %arg7[%dma_wait3A_563, %dma_wait3A_572, %dma_wait3A_573] : memref<10x64x128xf32, #tpu.memory_space<vmem>> -> memref<1x64x128xf32, #tpu.memory_space<vmem>>
        %dma_wait3A_575 = tpu.memref_squeeze %dma_wait3A_574 : memref<1x64x128xf32, #tpu.memory_space<vmem>> -> memref<64x128xf32, #tpu.memory_space<vmem>>
        tpu.wait_dma2 semaphore(%arg18 : memref<!tpu.dma_semaphore, #tpu.memory_space<semaphore_mem>>) src(%dma_wait3A_575 : memref<64x128xf32, #tpu.memory_space<vmem>>) dst(%dma_wait3A_571 : memref<64x128xf32, #tpu.memory_space<hbm>>)
      } else {
      }
      %add3A_308 = arith.constant 6 : i32
      %add3A_309 = arith.addi %add3A_302, %add3A_308 : i32
      %lt3A_310 = arith.constant 400 : i32
      %lt3A_311 = arith.cmpi slt, %add3A_309, %lt3A_310 : i32
      %convert_element_type3A_312 = arith.extui %lt3A_311 : i1 to i32
      %cond3A_313 = arith.constant 0 : i32
      %cond3A_314 = arith.cmpi ne, %convert_element_type3A_312, %cond3A_313 : i32
      scf.if %cond3A_314 {
        %add3A_557 = arith.constant 6 : i32
        %add3A_558 = arith.addi %add3A_302, %add3A_557 : i32
        %mul3A_559 = arith.constant 64 : i32
        %mul3A_560 = arith.muli %add3A_558, %mul3A_559 : i32
        %dma_start3A_561 = arith.constant 0 : i32
        %dma_start3A_562 = arith.constant 0 : i32
        %dma_start3A_563 = arith.constant 0 : i32
        %dma_start3A_564 = tpu.memref_slice %arg7[%dma_start3A_561, %dma_start3A_562, %dma_start3A_563] : memref<10x64x128xf32, #tpu.memory_space<vmem>> -> memref<1x64x128xf32, #tpu.memory_space<vmem>>
        %dma_start3A_565 = tpu.memref_squeeze %dma_start3A_564 : memref<1x64x128xf32, #tpu.memory_space<vmem>> -> memref<64x128xf32, #tpu.memory_space<vmem>>
        %dma_start3A_566 = tpu.memref_slice %arg6[%mul3A_560] : memref<25600xi32, #tpu.memory_space<vmem>> -> memref<64xi32, #tpu.memory_space<vmem>>
        %dma_start3A_567 = arith.constant 0 : i32
        %dma_start3A_568 = arith.constant 0 : i32
        %dma_start3A_569 = tpu.memref_slice %arg5[%dma_start3A_567, %dma_start3A_568] : memref<119x128xf32, #tpu.memory_space<vmem_shared>> -> memref<119x128xf32, #tpu.memory_space<vmem_shared>>
        tpu.enqueue_indirect_dma source(%dma_start3A_569 : memref<119x128xf32, #tpu.memory_space<vmem_shared>>) target(%dma_start3A_565 : memref<64x128xf32, #tpu.memory_space<vmem>>) offsets(%dma_start3A_566 : memref<64xi32, #tpu.memory_space<vmem>>) semaphore(%arg8 : memref<!tpu.dma_semaphore, #tpu.memory_space<semaphore_mem>>)
      } else {
      }
      %mul3A_315 = arith.constant 64 : i32
      %mul3A_316 = arith.muli %add3A_302, %mul3A_315 : i32
      %dma_wait3A_317 = arith.constant 4 : i32
      %dma_wait3A_318 = arith.constant 0 : i32
      %dma_wait3A_319 = arith.constant 0 : i32
      %dma_wait3A_320 = tpu.memref_slice %arg7[%dma_wait3A_317, %dma_wait3A_318, %dma_wait3A_319] : memref<10x64x128xf32, #tpu.memory_space<vmem>> -> memref<1x64x128xf32, #tpu.memory_space<vmem>>
      %dma_wait3A_321 = tpu.memref_squeeze %dma_wait3A_320 : memref<1x64x128xf32, #tpu.memory_space<vmem>> -> memref<64x128xf32, #tpu.memory_space<vmem>>
      %dma_wait3A_322 = tpu.memref_slice %arg6[%mul3A_316] : memref<25600xi32, #tpu.memory_space<vmem>> -> memref<64xi32, #tpu.memory_space<vmem>>
      %dma_wait3A_323 = arith.constant 0 : i32
      %dma_wait3A_324 = arith.constant 0 : i32
      %dma_wait3A_325 = tpu.memref_slice %arg5[%dma_wait3A_323, %dma_wait3A_324] : memref<119x128xf32, #tpu.memory_space<vmem_shared>> -> memref<119x128xf32, #tpu.memory_space<vmem_shared>>
      tpu.wait_indirect_dma semaphore(%arg12 : memref<!tpu.dma_semaphore, #tpu.memory_space<semaphore_mem>>) src(%dma_wait3A_325 : memref<119x128xf32, #tpu.memory_space<vmem_shared>>) dst(%dma_wait3A_321 : memref<64x128xf32, #tpu.memory_space<vmem>>)
      %mul3A_326 = arith.constant 64 : i32
      %mul3A_327 = arith.muli %add3A_302, %mul3A_326 : i32
      %add3A_328 = arith.addi %mul3A_2, %mul3A_327 : i32
      %dma_start3A_329 = arith.constant 4 : i32
      %dma_start3A_330 = arith.constant 0 : i32
      %dma_start3A_331 = arith.constant 0 : i32
      %dma_start3A_332 = tpu.memref_slice %arg7[%dma_start3A_329, %dma_start3A_330, %dma_start3A_331] : memref<10x64x128xf32, #tpu.memory_space<vmem>> -> memref<1x64x128xf32, #tpu.memory_space<vmem>>
      %dma_start3A_333 = tpu.memref_squeeze %dma_start3A_332 : memref<1x64x128xf32, #tpu.memory_space<vmem>> -> memref<64x128xf32, #tpu.memory_space<vmem>>
      %dma_start3A_334 = arith.constant 0 : i32
      %dma_start3A_335 = tpu.memref_slice %arg4[%add3A_328, %dma_start3A_334] : memref<819200x128xf32, #tpu.memory_space<hbm>> -> memref<64x128xf32, #tpu.memory_space<hbm>>
      %dma_start3A_336 = arith.constant 0 : i32
      %dma_start3A_337 = tpu.memref_slice %arg4[%add3A_328, %dma_start3A_336] : memref<819200x128xf32, #tpu.memory_space<hbm>> -> memref<64x128xf32, #tpu.memory_space<hbm>>
      %dma_start3A_338 = arith.constant 0 : i32
      %dma_start3A_339 = arith.constant 0 : i32
      %dma_start3A_340 = tpu.memref_slice %arg7[%dma_start3A_329, %dma_start3A_338, %dma_start3A_339] : memref<10x64x128xf32, #tpu.memory_space<vmem>> -> memref<1x64x128xf32, #tpu.memory_space<vmem>>
      %dma_start3A_341 = tpu.memref_squeeze %dma_start3A_340 : memref<1x64x128xf32, #tpu.memory_space<vmem>> -> memref<64x128xf32, #tpu.memory_space<vmem>>
      tpu.enqueue_dma source(%dma_start3A_341 : memref<64x128xf32, #tpu.memory_space<vmem>>) target(%dma_start3A_337 : memref<64x128xf32, #tpu.memory_space<hbm>>) target_semaphore(%arg22 : memref<!tpu.dma_semaphore, #tpu.memory_space<semaphore_mem>>)
      %mul3A_342 = arith.constant 10 : i32
      %mul3A_343 = arith.muli %scan3A_128, %mul3A_342 : i32
      %add3A_344 = arith.constant 5 : i32
      %add3A_345 = arith.addi %mul3A_343, %add3A_344 : i32
      %ge3A_346 = arith.constant 4 : i32
      %ge3A_347 = arith.cmpi sge, %add3A_345, %ge3A_346 : i32
      %convert_element_type3A_348 = arith.extui %ge3A_347 : i1 to i32
      %cond3A_349 = arith.constant 0 : i32
      %cond3A_350 = arith.cmpi ne, %convert_element_type3A_348, %cond3A_349 : i32
      scf.if %cond3A_350 {
        %add3A_557 = arith.constant 6 : i32
        %add3A_558 = arith.addi %add3A_345, %add3A_557 : i32
        %sub3A = arith.constant 10 : i32
        %sub3A_559 = arith.subi %add3A_558, %sub3A : i32
        %mul3A_560 = arith.constant 64 : i32
        %mul3A_561 = arith.muli %sub3A_559, %mul3A_560 : i32
        %add3A_562 = arith.addi %mul3A_2, %mul3A_561 : i32
        %dma_wait3A_563 = arith.constant 1 : i32
        %dma_wait3A_564 = arith.constant 0 : i32
        %dma_wait3A_565 = arith.constant 0 : i32
        %dma_wait3A_566 = tpu.memref_slice %arg7[%dma_wait3A_563, %dma_wait3A_564, %dma_wait3A_565] : memref<10x64x128xf32, #tpu.memory_space<vmem>> -> memref<1x64x128xf32, #tpu.memory_space<vmem>>
        %dma_wait3A_567 = tpu.memref_squeeze %dma_wait3A_566 : memref<1x64x128xf32, #tpu.memory_space<vmem>> -> memref<64x128xf32, #tpu.memory_space<vmem>>
        %dma_wait3A_568 = arith.constant 0 : i32
        %dma_wait3A_569 = tpu.memref_slice %arg4[%add3A_562, %dma_wait3A_568] : memref<819200x128xf32, #tpu.memory_space<hbm>> -> memref<64x128xf32, #tpu.memory_space<hbm>>
        %dma_wait3A_570 = arith.constant 0 : i32
        %dma_wait3A_571 = tpu.memref_slice %arg4[%add3A_562, %dma_wait3A_570] : memref<819200x128xf32, #tpu.memory_space<hbm>> -> memref<64x128xf32, #tpu.memory_space<hbm>>
        %dma_wait3A_572 = arith.constant 0 : i32
        %dma_wait3A_573 = arith.constant 0 : i32
        %dma_wait3A_574 = tpu.memref_slice %arg7[%dma_wait3A_563, %dma_wait3A_572, %dma_wait3A_573] : memref<10x64x128xf32, #tpu.memory_space<vmem>> -> memref<1x64x128xf32, #tpu.memory_space<vmem>>
        %dma_wait3A_575 = tpu.memref_squeeze %dma_wait3A_574 : memref<1x64x128xf32, #tpu.memory_space<vmem>> -> memref<64x128xf32, #tpu.memory_space<vmem>>
        tpu.wait_dma2 semaphore(%arg19 : memref<!tpu.dma_semaphore, #tpu.memory_space<semaphore_mem>>) src(%dma_wait3A_575 : memref<64x128xf32, #tpu.memory_space<vmem>>) dst(%dma_wait3A_571 : memref<64x128xf32, #tpu.memory_space<hbm>>)
      } else {
      }
      %add3A_351 = arith.constant 6 : i32
      %add3A_352 = arith.addi %add3A_345, %add3A_351 : i32
      %lt3A_353 = arith.constant 400 : i32
      %lt3A_354 = arith.cmpi slt, %add3A_352, %lt3A_353 : i32
      %convert_element_type3A_355 = arith.extui %lt3A_354 : i1 to i32
      %cond3A_356 = arith.constant 0 : i32
      %cond3A_357 = arith.cmpi ne, %convert_element_type3A_355, %cond3A_356 : i32
      scf.if %cond3A_357 {
        %add3A_557 = arith.constant 6 : i32
        %add3A_558 = arith.addi %add3A_345, %add3A_557 : i32
        %mul3A_559 = arith.constant 64 : i32
        %mul3A_560 = arith.muli %add3A_558, %mul3A_559 : i32
        %dma_start3A_561 = arith.constant 1 : i32
        %dma_start3A_562 = arith.constant 0 : i32
        %dma_start3A_563 = arith.constant 0 : i32
        %dma_start3A_564 = tpu.memref_slice %arg7[%dma_start3A_561, %dma_start3A_562, %dma_start3A_563] : memref<10x64x128xf32, #tpu.memory_space<vmem>> -> memref<1x64x128xf32, #tpu.memory_space<vmem>>
        %dma_start3A_565 = tpu.memref_squeeze %dma_start3A_564 : memref<1x64x128xf32, #tpu.memory_space<vmem>> -> memref<64x128xf32, #tpu.memory_space<vmem>>
        %dma_start3A_566 = tpu.memref_slice %arg6[%mul3A_560] : memref<25600xi32, #tpu.memory_space<vmem>> -> memref<64xi32, #tpu.memory_space<vmem>>
        %dma_start3A_567 = arith.constant 0 : i32
        %dma_start3A_568 = arith.constant 0 : i32
        %dma_start3A_569 = tpu.memref_slice %arg5[%dma_start3A_567, %dma_start3A_568] : memref<119x128xf32, #tpu.memory_space<vmem_shared>> -> memref<119x128xf32, #tpu.memory_space<vmem_shared>>
        tpu.enqueue_indirect_dma source(%dma_start3A_569 : memref<119x128xf32, #tpu.memory_space<vmem_shared>>) target(%dma_start3A_565 : memref<64x128xf32, #tpu.memory_space<vmem>>) offsets(%dma_start3A_566 : memref<64xi32, #tpu.memory_space<vmem>>) semaphore(%arg9 : memref<!tpu.dma_semaphore, #tpu.memory_space<semaphore_mem>>)
      } else {
      }
      %mul3A_358 = arith.constant 64 : i32
      %mul3A_359 = arith.muli %add3A_345, %mul3A_358 : i32
      %dma_wait3A_360 = arith.constant 5 : i32
      %dma_wait3A_361 = arith.constant 0 : i32
      %dma_wait3A_362 = arith.constant 0 : i32
      %dma_wait3A_363 = tpu.memref_slice %arg7[%dma_wait3A_360, %dma_wait3A_361, %dma_wait3A_362] : memref<10x64x128xf32, #tpu.memory_space<vmem>> -> memref<1x64x128xf32, #tpu.memory_space<vmem>>
      %dma_wait3A_364 = tpu.memref_squeeze %dma_wait3A_363 : memref<1x64x128xf32, #tpu.memory_space<vmem>> -> memref<64x128xf32, #tpu.memory_space<vmem>>
      %dma_wait3A_365 = tpu.memref_slice %arg6[%mul3A_359] : memref<25600xi32, #tpu.memory_space<vmem>> -> memref<64xi32, #tpu.memory_space<vmem>>
      %dma_wait3A_366 = arith.constant 0 : i32
      %dma_wait3A_367 = arith.constant 0 : i32
      %dma_wait3A_368 = tpu.memref_slice %arg5[%dma_wait3A_366, %dma_wait3A_367] : memref<119x128xf32, #tpu.memory_space<vmem_shared>> -> memref<119x128xf32, #tpu.memory_space<vmem_shared>>
      tpu.wait_indirect_dma semaphore(%arg13 : memref<!tpu.dma_semaphore, #tpu.memory_space<semaphore_mem>>) src(%dma_wait3A_368 : memref<119x128xf32, #tpu.memory_space<vmem_shared>>) dst(%dma_wait3A_364 : memref<64x128xf32, #tpu.memory_space<vmem>>)
      %mul3A_369 = arith.constant 64 : i32
      %mul3A_370 = arith.muli %add3A_345, %mul3A_369 : i32
      %add3A_371 = arith.addi %mul3A_2, %mul3A_370 : i32
      %dma_start3A_372 = arith.constant 5 : i32
      %dma_start3A_373 = arith.constant 0 : i32
      %dma_start3A_374 = arith.constant 0 : i32
      %dma_start3A_375 = tpu.memref_slice %arg7[%dma_start3A_372, %dma_start3A_373, %dma_start3A_374] : memref<10x64x128xf32, #tpu.memory_space<vmem>> -> memref<1x64x128xf32, #tpu.memory_space<vmem>>
      %dma_start3A_376 = tpu.memref_squeeze %dma_start3A_375 : memref<1x64x128xf32, #tpu.memory_space<vmem>> -> memref<64x128xf32, #tpu.memory_space<vmem>>
      %dma_start3A_377 = arith.constant 0 : i32
      %dma_start3A_378 = tpu.memref_slice %arg4[%add3A_371, %dma_start3A_377] : memref<819200x128xf32, #tpu.memory_space<hbm>> -> memref<64x128xf32, #tpu.memory_space<hbm>>
      %dma_start3A_379 = arith.constant 0 : i32
      %dma_start3A_380 = tpu.memref_slice %arg4[%add3A_371, %dma_start3A_379] : memref<819200x128xf32, #tpu.memory_space<hbm>> -> memref<64x128xf32, #tpu.memory_space<hbm>>
      %dma_start3A_381 = arith.constant 0 : i32
      %dma_start3A_382 = arith.constant 0 : i32
      %dma_start3A_383 = tpu.memref_slice %arg7[%dma_start3A_372, %dma_start3A_381, %dma_start3A_382] : memref<10x64x128xf32, #tpu.memory_space<vmem>> -> memref<1x64x128xf32, #tpu.memory_space<vmem>>
      %dma_start3A_384 = tpu.memref_squeeze %dma_start3A_383 : memref<1x64x128xf32, #tpu.memory_space<vmem>> -> memref<64x128xf32, #tpu.memory_space<vmem>>
      tpu.enqueue_dma source(%dma_start3A_384 : memref<64x128xf32, #tpu.memory_space<vmem>>) target(%dma_start3A_380 : memref<64x128xf32, #tpu.memory_space<hbm>>) target_semaphore(%arg23 : memref<!tpu.dma_semaphore, #tpu.memory_space<semaphore_mem>>)
      %mul3A_385 = arith.constant 10 : i32
      %mul3A_386 = arith.muli %scan3A_128, %mul3A_385 : i32
      %add3A_387 = arith.constant 6 : i32
      %add3A_388 = arith.addi %mul3A_386, %add3A_387 : i32
      %ge3A_389 = arith.constant 4 : i32
      %ge3A_390 = arith.cmpi sge, %add3A_388, %ge3A_389 : i32
      %convert_element_type3A_391 = arith.extui %ge3A_390 : i1 to i32
      %cond3A_392 = arith.constant 0 : i32
      %cond3A_393 = arith.cmpi ne, %convert_element_type3A_391, %cond3A_392 : i32
      scf.if %cond3A_393 {
        %add3A_557 = arith.constant 6 : i32
        %add3A_558 = arith.addi %add3A_388, %add3A_557 : i32
        %sub3A = arith.constant 10 : i32
        %sub3A_559 = arith.subi %add3A_558, %sub3A : i32
        %mul3A_560 = arith.constant 64 : i32
        %mul3A_561 = arith.muli %sub3A_559, %mul3A_560 : i32
        %add3A_562 = arith.addi %mul3A_2, %mul3A_561 : i32
        %dma_wait3A_563 = arith.constant 2 : i32
        %dma_wait3A_564 = arith.constant 0 : i32
        %dma_wait3A_565 = arith.constant 0 : i32
        %dma_wait3A_566 = tpu.memref_slice %arg7[%dma_wait3A_563, %dma_wait3A_564, %dma_wait3A_565] : memref<10x64x128xf32, #tpu.memory_space<vmem>> -> memref<1x64x128xf32, #tpu.memory_space<vmem>>
        %dma_wait3A_567 = tpu.memref_squeeze %dma_wait3A_566 : memref<1x64x128xf32, #tpu.memory_space<vmem>> -> memref<64x128xf32, #tpu.memory_space<vmem>>
        %dma_wait3A_568 = arith.constant 0 : i32
        %dma_wait3A_569 = tpu.memref_slice %arg4[%add3A_562, %dma_wait3A_568] : memref<819200x128xf32, #tpu.memory_space<hbm>> -> memref<64x128xf32, #tpu.memory_space<hbm>>
        %dma_wait3A_570 = arith.constant 0 : i32
        %dma_wait3A_571 = tpu.memref_slice %arg4[%add3A_562, %dma_wait3A_570] : memref<819200x128xf32, #tpu.memory_space<hbm>> -> memref<64x128xf32, #tpu.memory_space<hbm>>
        %dma_wait3A_572 = arith.constant 0 : i32
        %dma_wait3A_573 = arith.constant 0 : i32
        %dma_wait3A_574 = tpu.memref_slice %arg7[%dma_wait3A_563, %dma_wait3A_572, %dma_wait3A_573] : memref<10x64x128xf32, #tpu.memory_space<vmem>> -> memref<1x64x128xf32, #tpu.memory_space<vmem>>
        %dma_wait3A_575 = tpu.memref_squeeze %dma_wait3A_574 : memref<1x64x128xf32, #tpu.memory_space<vmem>> -> memref<64x128xf32, #tpu.memory_space<vmem>>
        tpu.wait_dma2 semaphore(%arg20 : memref<!tpu.dma_semaphore, #tpu.memory_space<semaphore_mem>>) src(%dma_wait3A_575 : memref<64x128xf32, #tpu.memory_space<vmem>>) dst(%dma_wait3A_571 : memref<64x128xf32, #tpu.memory_space<hbm>>)
      } else {
      }
      %add3A_394 = arith.constant 6 : i32
      %add3A_395 = arith.addi %add3A_388, %add3A_394 : i32
      %lt3A_396 = arith.constant 400 : i32
      %lt3A_397 = arith.cmpi slt, %add3A_395, %lt3A_396 : i32
      %convert_element_type3A_398 = arith.extui %lt3A_397 : i1 to i32
      %cond3A_399 = arith.constant 0 : i32
      %cond3A_400 = arith.cmpi ne, %convert_element_type3A_398, %cond3A_399 : i32
      scf.if %cond3A_400 {
        %add3A_557 = arith.constant 6 : i32
        %add3A_558 = arith.addi %add3A_388, %add3A_557 : i32
        %mul3A_559 = arith.constant 64 : i32
        %mul3A_560 = arith.muli %add3A_558, %mul3A_559 : i32
        %dma_start3A_561 = arith.constant 2 : i32
        %dma_start3A_562 = arith.constant 0 : i32
        %dma_start3A_563 = arith.constant 0 : i32
        %dma_start3A_564 = tpu.memref_slice %arg7[%dma_start3A_561, %dma_start3A_562, %dma_start3A_563] : memref<10x64x128xf32, #tpu.memory_space<vmem>> -> memref<1x64x128xf32, #tpu.memory_space<vmem>>
        %dma_start3A_565 = tpu.memref_squeeze %dma_start3A_564 : memref<1x64x128xf32, #tpu.memory_space<vmem>> -> memref<64x128xf32, #tpu.memory_space<vmem>>
        %dma_start3A_566 = tpu.memref_slice %arg6[%mul3A_560] : memref<25600xi32, #tpu.memory_space<vmem>> -> memref<64xi32, #tpu.memory_space<vmem>>
        %dma_start3A_567 = arith.constant 0 : i32
        %dma_start3A_568 = arith.constant 0 : i32
        %dma_start3A_569 = tpu.memref_slice %arg5[%dma_start3A_567, %dma_start3A_568] : memref<119x128xf32, #tpu.memory_space<vmem_shared>> -> memref<119x128xf32, #tpu.memory_space<vmem_shared>>
        tpu.enqueue_indirect_dma source(%dma_start3A_569 : memref<119x128xf32, #tpu.memory_space<vmem_shared>>) target(%dma_start3A_565 : memref<64x128xf32, #tpu.memory_space<vmem>>) offsets(%dma_start3A_566 : memref<64xi32, #tpu.memory_space<vmem>>) semaphore(%arg10 : memref<!tpu.dma_semaphore, #tpu.memory_space<semaphore_mem>>)
      } else {
      }
      %mul3A_401 = arith.constant 64 : i32
      %mul3A_402 = arith.muli %add3A_388, %mul3A_401 : i32
      %dma_wait3A_403 = arith.constant 6 : i32
      %dma_wait3A_404 = arith.constant 0 : i32
      %dma_wait3A_405 = arith.constant 0 : i32
      %dma_wait3A_406 = tpu.memref_slice %arg7[%dma_wait3A_403, %dma_wait3A_404, %dma_wait3A_405] : memref<10x64x128xf32, #tpu.memory_space<vmem>> -> memref<1x64x128xf32, #tpu.memory_space<vmem>>
      %dma_wait3A_407 = tpu.memref_squeeze %dma_wait3A_406 : memref<1x64x128xf32, #tpu.memory_space<vmem>> -> memref<64x128xf32, #tpu.memory_space<vmem>>
      %dma_wait3A_408 = tpu.memref_slice %arg6[%mul3A_402] : memref<25600xi32, #tpu.memory_space<vmem>> -> memref<64xi32, #tpu.memory_space<vmem>>
      %dma_wait3A_409 = arith.constant 0 : i32
      %dma_wait3A_410 = arith.constant 0 : i32
      %dma_wait3A_411 = tpu.memref_slice %arg5[%dma_wait3A_409, %dma_wait3A_410] : memref<119x128xf32, #tpu.memory_space<vmem_shared>> -> memref<119x128xf32, #tpu.memory_space<vmem_shared>>
      tpu.wait_indirect_dma semaphore(%arg14 : memref<!tpu.dma_semaphore, #tpu.memory_space<semaphore_mem>>) src(%dma_wait3A_411 : memref<119x128xf32, #tpu.memory_space<vmem_shared>>) dst(%dma_wait3A_407 : memref<64x128xf32, #tpu.memory_space<vmem>>)
      %mul3A_412 = arith.constant 64 : i32
      %mul3A_413 = arith.muli %add3A_388, %mul3A_412 : i32
      %add3A_414 = arith.addi %mul3A_2, %mul3A_413 : i32
      %dma_start3A_415 = arith.constant 6 : i32
      %dma_start3A_416 = arith.constant 0 : i32
      %dma_start3A_417 = arith.constant 0 : i32
      %dma_start3A_418 = tpu.memref_slice %arg7[%dma_start3A_415, %dma_start3A_416, %dma_start3A_417] : memref<10x64x128xf32, #tpu.memory_space<vmem>> -> memref<1x64x128xf32, #tpu.memory_space<vmem>>
      %dma_start3A_419 = tpu.memref_squeeze %dma_start3A_418 : memref<1x64x128xf32, #tpu.memory_space<vmem>> -> memref<64x128xf32, #tpu.memory_space<vmem>>
      %dma_start3A_420 = arith.constant 0 : i32
      %dma_start3A_421 = tpu.memref_slice %arg4[%add3A_414, %dma_start3A_420] : memref<819200x128xf32, #tpu.memory_space<hbm>> -> memref<64x128xf32, #tpu.memory_space<hbm>>
      %dma_start3A_422 = arith.constant 0 : i32
      %dma_start3A_423 = tpu.memref_slice %arg4[%add3A_414, %dma_start3A_422] : memref<819200x128xf32, #tpu.memory_space<hbm>> -> memref<64x128xf32, #tpu.memory_space<hbm>>
      %dma_start3A_424 = arith.constant 0 : i32
      %dma_start3A_425 = arith.constant 0 : i32
      %dma_start3A_426 = tpu.memref_slice %arg7[%dma_start3A_415, %dma_start3A_424, %dma_start3A_425] : memref<10x64x128xf32, #tpu.memory_space<vmem>> -> memref<1x64x128xf32, #tpu.memory_space<vmem>>
      %dma_start3A_427 = tpu.memref_squeeze %dma_start3A_426 : memref<1x64x128xf32, #tpu.memory_space<vmem>> -> memref<64x128xf32, #tpu.memory_space<vmem>>
      tpu.enqueue_dma source(%dma_start3A_427 : memref<64x128xf32, #tpu.memory_space<vmem>>) target(%dma_start3A_423 : memref<64x128xf32, #tpu.memory_space<hbm>>) target_semaphore(%arg24 : memref<!tpu.dma_semaphore, #tpu.memory_space<semaphore_mem>>)
      %mul3A_428 = arith.constant 10 : i32
      %mul3A_429 = arith.muli %scan3A_128, %mul3A_428 : i32
      %add3A_430 = arith.constant 7 : i32
      %add3A_431 = arith.addi %mul3A_429, %add3A_430 : i32
      %ge3A_432 = arith.constant 4 : i32
      %ge3A_433 = arith.cmpi sge, %add3A_431, %ge3A_432 : i32
      %convert_element_type3A_434 = arith.extui %ge3A_433 : i1 to i32
      %cond3A_435 = arith.constant 0 : i32
      %cond3A_436 = arith.cmpi ne, %convert_element_type3A_434, %cond3A_435 : i32
      scf.if %cond3A_436 {
        %add3A_557 = arith.constant 6 : i32
        %add3A_558 = arith.addi %add3A_431, %add3A_557 : i32
        %sub3A = arith.constant 10 : i32
        %sub3A_559 = arith.subi %add3A_558, %sub3A : i32
        %mul3A_560 = arith.constant 64 : i32
        %mul3A_561 = arith.muli %sub3A_559, %mul3A_560 : i32
        %add3A_562 = arith.addi %mul3A_2, %mul3A_561 : i32
        %dma_wait3A_563 = arith.constant 3 : i32
        %dma_wait3A_564 = arith.constant 0 : i32
        %dma_wait3A_565 = arith.constant 0 : i32
        %dma_wait3A_566 = tpu.memref_slice %arg7[%dma_wait3A_563, %dma_wait3A_564, %dma_wait3A_565] : memref<10x64x128xf32, #tpu.memory_space<vmem>> -> memref<1x64x128xf32, #tpu.memory_space<vmem>>
        %dma_wait3A_567 = tpu.memref_squeeze %dma_wait3A_566 : memref<1x64x128xf32, #tpu.memory_space<vmem>> -> memref<64x128xf32, #tpu.memory_space<vmem>>
        %dma_wait3A_568 = arith.constant 0 : i32
        %dma_wait3A_569 = tpu.memref_slice %arg4[%add3A_562, %dma_wait3A_568] : memref<819200x128xf32, #tpu.memory_space<hbm>> -> memref<64x128xf32, #tpu.memory_space<hbm>>
        %dma_wait3A_570 = arith.constant 0 : i32
        %dma_wait3A_571 = tpu.memref_slice %arg4[%add3A_562, %dma_wait3A_570] : memref<819200x128xf32, #tpu.memory_space<hbm>> -> memref<64x128xf32, #tpu.memory_space<hbm>>
        %dma_wait3A_572 = arith.constant 0 : i32
        %dma_wait3A_573 = arith.constant 0 : i32
        %dma_wait3A_574 = tpu.memref_slice %arg7[%dma_wait3A_563, %dma_wait3A_572, %dma_wait3A_573] : memref<10x64x128xf32, #tpu.memory_space<vmem>> -> memref<1x64x128xf32, #tpu.memory_space<vmem>>
        %dma_wait3A_575 = tpu.memref_squeeze %dma_wait3A_574 : memref<1x64x128xf32, #tpu.memory_space<vmem>> -> memref<64x128xf32, #tpu.memory_space<vmem>>
        tpu.wait_dma2 semaphore(%arg21 : memref<!tpu.dma_semaphore, #tpu.memory_space<semaphore_mem>>) src(%dma_wait3A_575 : memref<64x128xf32, #tpu.memory_space<vmem>>) dst(%dma_wait3A_571 : memref<64x128xf32, #tpu.memory_space<hbm>>)
      } else {
      }
      %add3A_437 = arith.constant 6 : i32
      %add3A_438 = arith.addi %add3A_431, %add3A_437 : i32
      %lt3A_439 = arith.constant 400 : i32
      %lt3A_440 = arith.cmpi slt, %add3A_438, %lt3A_439 : i32
      %convert_element_type3A_441 = arith.extui %lt3A_440 : i1 to i32
      %cond3A_442 = arith.constant 0 : i32
      %cond3A_443 = arith.cmpi ne, %convert_element_type3A_441, %cond3A_442 : i32
      scf.if %cond3A_443 {
        %add3A_557 = arith.constant 6 : i32
        %add3A_558 = arith.addi %add3A_431, %add3A_557 : i32
        %mul3A_559 = arith.constant 64 : i32
        %mul3A_560 = arith.muli %add3A_558, %mul3A_559 : i32
        %dma_start3A_561 = arith.constant 3 : i32
        %dma_start3A_562 = arith.constant 0 : i32
        %dma_start3A_563 = arith.constant 0 : i32
        %dma_start3A_564 = tpu.memref_slice %arg7[%dma_start3A_561, %dma_start3A_562, %dma_start3A_563] : memref<10x64x128xf32, #tpu.memory_space<vmem>> -> memref<1x64x128xf32, #tpu.memory_space<vmem>>
        %dma_start3A_565 = tpu.memref_squeeze %dma_start3A_564 : memref<1x64x128xf32, #tpu.memory_space<vmem>> -> memref<64x128xf32, #tpu.memory_space<vmem>>
        %dma_start3A_566 = tpu.memref_slice %arg6[%mul3A_560] : memref<25600xi32, #tpu.memory_space<vmem>> -> memref<64xi32, #tpu.memory_space<vmem>>
        %dma_start3A_567 = arith.constant 0 : i32
        %dma_start3A_568 = arith.constant 0 : i32
        %dma_start3A_569 = tpu.memref_slice %arg5[%dma_start3A_567, %dma_start3A_568] : memref<119x128xf32, #tpu.memory_space<vmem_shared>> -> memref<119x128xf32, #tpu.memory_space<vmem_shared>>
        tpu.enqueue_indirect_dma source(%dma_start3A_569 : memref<119x128xf32, #tpu.memory_space<vmem_shared>>) target(%dma_start3A_565 : memref<64x128xf32, #tpu.memory_space<vmem>>) offsets(%dma_start3A_566 : memref<64xi32, #tpu.memory_space<vmem>>) semaphore(%arg11 : memref<!tpu.dma_semaphore, #tpu.memory_space<semaphore_mem>>)
      } else {
      }
      %mul3A_444 = arith.constant 64 : i32
      %mul3A_445 = arith.muli %add3A_431, %mul3A_444 : i32
      %dma_wait3A_446 = arith.constant 7 : i32
      %dma_wait3A_447 = arith.constant 0 : i32
      %dma_wait3A_448 = arith.constant 0 : i32
      %dma_wait3A_449 = tpu.memref_slice %arg7[%dma_wait3A_446, %dma_wait3A_447, %dma_wait3A_448] : memref<10x64x128xf32, #tpu.memory_space<vmem>> -> memref<1x64x128xf32, #tpu.memory_space<vmem>>
      %dma_wait3A_450 = tpu.memref_squeeze %dma_wait3A_449 : memref<1x64x128xf32, #tpu.memory_space<vmem>> -> memref<64x128xf32, #tpu.memory_space<vmem>>
      %dma_wait3A_451 = tpu.memref_slice %arg6[%mul3A_445] : memref<25600xi32, #tpu.memory_space<vmem>> -> memref<64xi32, #tpu.memory_space<vmem>>
      %dma_wait3A_452 = arith.constant 0 : i32
      %dma_wait3A_453 = arith.constant 0 : i32
      %dma_wait3A_454 = tpu.memref_slice %arg5[%dma_wait3A_452, %dma_wait3A_453] : memref<119x128xf32, #tpu.memory_space<vmem_shared>> -> memref<119x128xf32, #tpu.memory_space<vmem_shared>>
      tpu.wait_indirect_dma semaphore(%arg15 : memref<!tpu.dma_semaphore, #tpu.memory_space<semaphore_mem>>) src(%dma_wait3A_454 : memref<119x128xf32, #tpu.memory_space<vmem_shared>>) dst(%dma_wait3A_450 : memref<64x128xf32, #tpu.memory_space<vmem>>)
      %mul3A_455 = arith.constant 64 : i32
      %mul3A_456 = arith.muli %add3A_431, %mul3A_455 : i32
      %add3A_457 = arith.addi %mul3A_2, %mul3A_456 : i32
      %dma_start3A_458 = arith.constant 7 : i32
      %dma_start3A_459 = arith.constant 0 : i32
      %dma_start3A_460 = arith.constant 0 : i32
      %dma_start3A_461 = tpu.memref_slice %arg7[%dma_start3A_458, %dma_start3A_459, %dma_start3A_460] : memref<10x64x128xf32, #tpu.memory_space<vmem>> -> memref<1x64x128xf32, #tpu.memory_space<vmem>>
      %dma_start3A_462 = tpu.memref_squeeze %dma_start3A_461 : memref<1x64x128xf32, #tpu.memory_space<vmem>> -> memref<64x128xf32, #tpu.memory_space<vmem>>
      %dma_start3A_463 = arith.constant 0 : i32
      %dma_start3A_464 = tpu.memref_slice %arg4[%add3A_457, %dma_start3A_463] : memref<819200x128xf32, #tpu.memory_space<hbm>> -> memref<64x128xf32, #tpu.memory_space<hbm>>
      %dma_start3A_465 = arith.constant 0 : i32
      %dma_start3A_466 = tpu.memref_slice %arg4[%add3A_457, %dma_start3A_465] : memref<819200x128xf32, #tpu.memory_space<hbm>> -> memref<64x128xf32, #tpu.memory_space<hbm>>
      %dma_start3A_467 = arith.constant 0 : i32
      %dma_start3A_468 = arith.constant 0 : i32
      %dma_start3A_469 = tpu.memref_slice %arg7[%dma_start3A_458, %dma_start3A_467, %dma_start3A_468] : memref<10x64x128xf32, #tpu.memory_space<vmem>> -> memref<1x64x128xf32, #tpu.memory_space<vmem>>
      %dma_start3A_470 = tpu.memref_squeeze %dma_start3A_469 : memref<1x64x128xf32, #tpu.memory_space<vmem>> -> memref<64x128xf32, #tpu.memory_space<vmem>>
      tpu.enqueue_dma source(%dma_start3A_470 : memref<64x128xf32, #tpu.memory_space<vmem>>) target(%dma_start3A_466 : memref<64x128xf32, #tpu.memory_space<hbm>>) target_semaphore(%arg25 : memref<!tpu.dma_semaphore, #tpu.memory_space<semaphore_mem>>)
      %mul3A_471 = arith.constant 10 : i32
      %mul3A_472 = arith.muli %scan3A_128, %mul3A_471 : i32
      %add3A_473 = arith.constant 8 : i32
      %add3A_474 = arith.addi %mul3A_472, %add3A_473 : i32
      %ge3A_475 = arith.constant 4 : i32
      %ge3A_476 = arith.cmpi sge, %add3A_474, %ge3A_475 : i32
      %convert_element_type3A_477 = arith.extui %ge3A_476 : i1 to i32
      %cond3A_478 = arith.constant 0 : i32
      %cond3A_479 = arith.cmpi ne, %convert_element_type3A_477, %cond3A_478 : i32
      scf.if %cond3A_479 {
        %add3A_557 = arith.constant 6 : i32
        %add3A_558 = arith.addi %add3A_474, %add3A_557 : i32
        %sub3A = arith.constant 10 : i32
        %sub3A_559 = arith.subi %add3A_558, %sub3A : i32
        %mul3A_560 = arith.constant 64 : i32
        %mul3A_561 = arith.muli %sub3A_559, %mul3A_560 : i32
        %add3A_562 = arith.addi %mul3A_2, %mul3A_561 : i32
        %dma_wait3A_563 = arith.constant 4 : i32
        %dma_wait3A_564 = arith.constant 0 : i32
        %dma_wait3A_565 = arith.constant 0 : i32
        %dma_wait3A_566 = tpu.memref_slice %arg7[%dma_wait3A_563, %dma_wait3A_564, %dma_wait3A_565] : memref<10x64x128xf32, #tpu.memory_space<vmem>> -> memref<1x64x128xf32, #tpu.memory_space<vmem>>
        %dma_wait3A_567 = tpu.memref_squeeze %dma_wait3A_566 : memref<1x64x128xf32, #tpu.memory_space<vmem>> -> memref<64x128xf32, #tpu.memory_space<vmem>>
        %dma_wait3A_568 = arith.constant 0 : i32
        %dma_wait3A_569 = tpu.memref_slice %arg4[%add3A_562, %dma_wait3A_568] : memref<819200x128xf32, #tpu.memory_space<hbm>> -> memref<64x128xf32, #tpu.memory_space<hbm>>
        %dma_wait3A_570 = arith.constant 0 : i32
        %dma_wait3A_571 = tpu.memref_slice %arg4[%add3A_562, %dma_wait3A_570] : memref<819200x128xf32, #tpu.memory_space<hbm>> -> memref<64x128xf32, #tpu.memory_space<hbm>>
        %dma_wait3A_572 = arith.constant 0 : i32
        %dma_wait3A_573 = arith.constant 0 : i32
        %dma_wait3A_574 = tpu.memref_slice %arg7[%dma_wait3A_563, %dma_wait3A_572, %dma_wait3A_573] : memref<10x64x128xf32, #tpu.memory_space<vmem>> -> memref<1x64x128xf32, #tpu.memory_space<vmem>>
        %dma_wait3A_575 = tpu.memref_squeeze %dma_wait3A_574 : memref<1x64x128xf32, #tpu.memory_space<vmem>> -> memref<64x128xf32, #tpu.memory_space<vmem>>
        tpu.wait_dma2 semaphore(%arg22 : memref<!tpu.dma_semaphore, #tpu.memory_space<semaphore_mem>>) src(%dma_wait3A_575 : memref<64x128xf32, #tpu.memory_space<vmem>>) dst(%dma_wait3A_571 : memref<64x128xf32, #tpu.memory_space<hbm>>)
      } else {
      }
      %add3A_480 = arith.constant 6 : i32
      %add3A_481 = arith.addi %add3A_474, %add3A_480 : i32
      %lt3A_482 = arith.constant 400 : i32
      %lt3A_483 = arith.cmpi slt, %add3A_481, %lt3A_482 : i32
      %convert_element_type3A_484 = arith.extui %lt3A_483 : i1 to i32
      %cond3A_485 = arith.constant 0 : i32
      %cond3A_486 = arith.cmpi ne, %convert_element_type3A_484, %cond3A_485 : i32
      scf.if %cond3A_486 {
        %add3A_557 = arith.constant 6 : i32
        %add3A_558 = arith.addi %add3A_474, %add3A_557 : i32
        %mul3A_559 = arith.constant 64 : i32
        %mul3A_560 = arith.muli %add3A_558, %mul3A_559 : i32
        %dma_start3A_561 = arith.constant 4 : i32
        %dma_start3A_562 = arith.constant 0 : i32
        %dma_start3A_563 = arith.constant 0 : i32
        %dma_start3A_564 = tpu.memref_slice %arg7[%dma_start3A_561, %dma_start3A_562, %dma_start3A_563] : memref<10x64x128xf32, #tpu.memory_space<vmem>> -> memref<1x64x128xf32, #tpu.memory_space<vmem>>
        %dma_start3A_565 = tpu.memref_squeeze %dma_start3A_564 : memref<1x64x128xf32, #tpu.memory_space<vmem>> -> memref<64x128xf32, #tpu.memory_space<vmem>>
        %dma_start3A_566 = tpu.memref_slice %arg6[%mul3A_560] : memref<25600xi32, #tpu.memory_space<vmem>> -> memref<64xi32, #tpu.memory_space<vmem>>
        %dma_start3A_567 = arith.constant 0 : i32
        %dma_start3A_568 = arith.constant 0 : i32
        %dma_start3A_569 = tpu.memref_slice %arg5[%dma_start3A_567, %dma_start3A_568] : memref<119x128xf32, #tpu.memory_space<vmem_shared>> -> memref<119x128xf32, #tpu.memory_space<vmem_shared>>
        tpu.enqueue_indirect_dma source(%dma_start3A_569 : memref<119x128xf32, #tpu.memory_space<vmem_shared>>) target(%dma_start3A_565 : memref<64x128xf32, #tpu.memory_space<vmem>>) offsets(%dma_start3A_566 : memref<64xi32, #tpu.memory_space<vmem>>) semaphore(%arg12 : memref<!tpu.dma_semaphore, #tpu.memory_space<semaphore_mem>>)
      } else {
      }
      %mul3A_487 = arith.constant 64 : i32
      %mul3A_488 = arith.muli %add3A_474, %mul3A_487 : i32
      %dma_wait3A_489 = arith.constant 8 : i32
      %dma_wait3A_490 = arith.constant 0 : i32
      %dma_wait3A_491 = arith.constant 0 : i32
      %dma_wait3A_492 = tpu.memref_slice %arg7[%dma_wait3A_489, %dma_wait3A_490, %dma_wait3A_491] : memref<10x64x128xf32, #tpu.memory_space<vmem>> -> memref<1x64x128xf32, #tpu.memory_space<vmem>>
      %dma_wait3A_493 = tpu.memref_squeeze %dma_wait3A_492 : memref<1x64x128xf32, #tpu.memory_space<vmem>> -> memref<64x128xf32, #tpu.memory_space<vmem>>
      %dma_wait3A_494 = tpu.memref_slice %arg6[%mul3A_488] : memref<25600xi32, #tpu.memory_space<vmem>> -> memref<64xi32, #tpu.memory_space<vmem>>
      %dma_wait3A_495 = arith.constant 0 : i32
      %dma_wait3A_496 = arith.constant 0 : i32
      %dma_wait3A_497 = tpu.memref_slice %arg5[%dma_wait3A_495, %dma_wait3A_496] : memref<119x128xf32, #tpu.memory_space<vmem_shared>> -> memref<119x128xf32, #tpu.memory_space<vmem_shared>>
      tpu.wait_indirect_dma semaphore(%arg16 : memref<!tpu.dma_semaphore, #tpu.memory_space<semaphore_mem>>) src(%dma_wait3A_497 : memref<119x128xf32, #tpu.memory_space<vmem_shared>>) dst(%dma_wait3A_493 : memref<64x128xf32, #tpu.memory_space<vmem>>)
      %mul3A_498 = arith.constant 64 : i32
      %mul3A_499 = arith.muli %add3A_474, %mul3A_498 : i32
      %add3A_500 = arith.addi %mul3A_2, %mul3A_499 : i32
      %dma_start3A_501 = arith.constant 8 : i32
      %dma_start3A_502 = arith.constant 0 : i32
      %dma_start3A_503 = arith.constant 0 : i32
      %dma_start3A_504 = tpu.memref_slice %arg7[%dma_start3A_501, %dma_start3A_502, %dma_start3A_503] : memref<10x64x128xf32, #tpu.memory_space<vmem>> -> memref<1x64x128xf32, #tpu.memory_space<vmem>>
      %dma_start3A_505 = tpu.memref_squeeze %dma_start3A_504 : memref<1x64x128xf32, #tpu.memory_space<vmem>> -> memref<64x128xf32, #tpu.memory_space<vmem>>
      %dma_start3A_506 = arith.constant 0 : i32
      %dma_start3A_507 = tpu.memref_slice %arg4[%add3A_500, %dma_start3A_506] : memref<819200x128xf32, #tpu.memory_space<hbm>> -> memref<64x128xf32, #tpu.memory_space<hbm>>
      %dma_start3A_508 = arith.constant 0 : i32
      %dma_start3A_509 = tpu.memref_slice %arg4[%add3A_500, %dma_start3A_508] : memref<819200x128xf32, #tpu.memory_space<hbm>> -> memref<64x128xf32, #tpu.memory_space<hbm>>
      %dma_start3A_510 = arith.constant 0 : i32
      %dma_start3A_511 = arith.constant 0 : i32
      %dma_start3A_512 = tpu.memref_slice %arg7[%dma_start3A_501, %dma_start3A_510, %dma_start3A_511] : memref<10x64x128xf32, #tpu.memory_space<vmem>> -> memref<1x64x128xf32, #tpu.memory_space<vmem>>
      %dma_start3A_513 = tpu.memref_squeeze %dma_start3A_512 : memref<1x64x128xf32, #tpu.memory_space<vmem>> -> memref<64x128xf32, #tpu.memory_space<vmem>>
      tpu.enqueue_dma source(%dma_start3A_513 : memref<64x128xf32, #tpu.memory_space<vmem>>) target(%dma_start3A_509 : memref<64x128xf32, #tpu.memory_space<hbm>>) target_semaphore(%arg26 : memref<!tpu.dma_semaphore, #tpu.memory_space<semaphore_mem>>)
      %mul3A_514 = arith.constant 10 : i32
      %mul3A_515 = arith.muli %scan3A_128, %mul3A_514 : i32
      %add3A_516 = arith.constant 9 : i32
      %add3A_517 = arith.addi %mul3A_515, %add3A_516 : i32
      %ge3A_518 = arith.constant 4 : i32
      %ge3A_519 = arith.cmpi sge, %add3A_517, %ge3A_518 : i32
      %convert_element_type3A_520 = arith.extui %ge3A_519 : i1 to i32
      %cond3A_521 = arith.constant 0 : i32
      %cond3A_522 = arith.cmpi ne, %convert_element_type3A_520, %cond3A_521 : i32
      scf.if %cond3A_522 {
        %add3A_557 = arith.constant 6 : i32
        %add3A_558 = arith.addi %add3A_517, %add3A_557 : i32
        %sub3A = arith.constant 10 : i32
        %sub3A_559 = arith.subi %add3A_558, %sub3A : i32
        %mul3A_560 = arith.constant 64 : i32
        %mul3A_561 = arith.muli %sub3A_559, %mul3A_560 : i32
        %add3A_562 = arith.addi %mul3A_2, %mul3A_561 : i32
        %dma_wait3A_563 = arith.constant 5 : i32
        %dma_wait3A_564 = arith.constant 0 : i32
        %dma_wait3A_565 = arith.constant 0 : i32
        %dma_wait3A_566 = tpu.memref_slice %arg7[%dma_wait3A_563, %dma_wait3A_564, %dma_wait3A_565] : memref<10x64x128xf32, #tpu.memory_space<vmem>> -> memref<1x64x128xf32, #tpu.memory_space<vmem>>
        %dma_wait3A_567 = tpu.memref_squeeze %dma_wait3A_566 : memref<1x64x128xf32, #tpu.memory_space<vmem>> -> memref<64x128xf32, #tpu.memory_space<vmem>>
        %dma_wait3A_568 = arith.constant 0 : i32
        %dma_wait3A_569 = tpu.memref_slice %arg4[%add3A_562, %dma_wait3A_568] : memref<819200x128xf32, #tpu.memory_space<hbm>> -> memref<64x128xf32, #tpu.memory_space<hbm>>
        %dma_wait3A_570 = arith.constant 0 : i32
        %dma_wait3A_571 = tpu.memref_slice %arg4[%add3A_562, %dma_wait3A_570] : memref<819200x128xf32, #tpu.memory_space<hbm>> -> memref<64x128xf32, #tpu.memory_space<hbm>>
        %dma_wait3A_572 = arith.constant 0 : i32
        %dma_wait3A_573 = arith.constant 0 : i32
        %dma_wait3A_574 = tpu.memref_slice %arg7[%dma_wait3A_563, %dma_wait3A_572, %dma_wait3A_573] : memref<10x64x128xf32, #tpu.memory_space<vmem>> -> memref<1x64x128xf32, #tpu.memory_space<vmem>>
        %dma_wait3A_575 = tpu.memref_squeeze %dma_wait3A_574 : memref<1x64x128xf32, #tpu.memory_space<vmem>> -> memref<64x128xf32, #tpu.memory_space<vmem>>
        tpu.wait_dma2 semaphore(%arg23 : memref<!tpu.dma_semaphore, #tpu.memory_space<semaphore_mem>>) src(%dma_wait3A_575 : memref<64x128xf32, #tpu.memory_space<vmem>>) dst(%dma_wait3A_571 : memref<64x128xf32, #tpu.memory_space<hbm>>)
      } else {
      }
      %add3A_523 = arith.constant 6 : i32
      %add3A_524 = arith.addi %add3A_517, %add3A_523 : i32
      %lt3A_525 = arith.constant 400 : i32
      %lt3A_526 = arith.cmpi slt, %add3A_524, %lt3A_525 : i32
      %convert_element_type3A_527 = arith.extui %lt3A_526 : i1 to i32
      %cond3A_528 = arith.constant 0 : i32
      %cond3A_529 = arith.cmpi ne, %convert_element_type3A_527, %cond3A_528 : i32
      scf.if %cond3A_529 {
        %add3A_557 = arith.constant 6 : i32
        %add3A_558 = arith.addi %add3A_517, %add3A_557 : i32
        %mul3A_559 = arith.constant 64 : i32
        %mul3A_560 = arith.muli %add3A_558, %mul3A_559 : i32
        %dma_start3A_561 = arith.constant 5 : i32
        %dma_start3A_562 = arith.constant 0 : i32
        %dma_start3A_563 = arith.constant 0 : i32
        %dma_start3A_564 = tpu.memref_slice %arg7[%dma_start3A_561, %dma_start3A_562, %dma_start3A_563] : memref<10x64x128xf32, #tpu.memory_space<vmem>> -> memref<1x64x128xf32, #tpu.memory_space<vmem>>
        %dma_start3A_565 = tpu.memref_squeeze %dma_start3A_564 : memref<1x64x128xf32, #tpu.memory_space<vmem>> -> memref<64x128xf32, #tpu.memory_space<vmem>>
        %dma_start3A_566 = tpu.memref_slice %arg6[%mul3A_560] : memref<25600xi32, #tpu.memory_space<vmem>> -> memref<64xi32, #tpu.memory_space<vmem>>
        %dma_start3A_567 = arith.constant 0 : i32
        %dma_start3A_568 = arith.constant 0 : i32
        %dma_start3A_569 = tpu.memref_slice %arg5[%dma_start3A_567, %dma_start3A_568] : memref<119x128xf32, #tpu.memory_space<vmem_shared>> -> memref<119x128xf32, #tpu.memory_space<vmem_shared>>
        tpu.enqueue_indirect_dma source(%dma_start3A_569 : memref<119x128xf32, #tpu.memory_space<vmem_shared>>) target(%dma_start3A_565 : memref<64x128xf32, #tpu.memory_space<vmem>>) offsets(%dma_start3A_566 : memref<64xi32, #tpu.memory_space<vmem>>) semaphore(%arg13 : memref<!tpu.dma_semaphore, #tpu.memory_space<semaphore_mem>>)
      } else {
      }
      %mul3A_530 = arith.constant 64 : i32
      %mul3A_531 = arith.muli %add3A_517, %mul3A_530 : i32
      %dma_wait3A_532 = arith.constant 9 : i32
      %dma_wait3A_533 = arith.constant 0 : i32
      %dma_wait3A_534 = arith.constant 0 : i32
      %dma_wait3A_535 = tpu.memref_slice %arg7[%dma_wait3A_532, %dma_wait3A_533, %dma_wait3A_534] : memref<10x64x128xf32, #tpu.memory_space<vmem>> -> memref<1x64x128xf32, #tpu.memory_space<vmem>>
      %dma_wait3A_536 = tpu.memref_squeeze %dma_wait3A_535 : memref<1x64x128xf32, #tpu.memory_space<vmem>> -> memref<64x128xf32, #tpu.memory_space<vmem>>
      %dma_wait3A_537 = tpu.memref_slice %arg6[%mul3A_531] : memref<25600xi32, #tpu.memory_space<vmem>> -> memref<64xi32, #tpu.memory_space<vmem>>
      %dma_wait3A_538 = arith.constant 0 : i32
      %dma_wait3A_539 = arith.constant 0 : i32
      %dma_wait3A_540 = tpu.memref_slice %arg5[%dma_wait3A_538, %dma_wait3A_539] : memref<119x128xf32, #tpu.memory_space<vmem_shared>> -> memref<119x128xf32, #tpu.memory_space<vmem_shared>>
      tpu.wait_indirect_dma semaphore(%arg17 : memref<!tpu.dma_semaphore, #tpu.memory_space<semaphore_mem>>) src(%dma_wait3A_540 : memref<119x128xf32, #tpu.memory_space<vmem_shared>>) dst(%dma_wait3A_536 : memref<64x128xf32, #tpu.memory_space<vmem>>)
      %mul3A_541 = arith.constant 64 : i32
      %mul3A_542 = arith.muli %add3A_517, %mul3A_541 : i32
      %add3A_543 = arith.addi %mul3A_2, %mul3A_542 : i32
      %dma_start3A_544 = arith.constant 9 : i32
      %dma_start3A_545 = arith.constant 0 : i32
      %dma_start3A_546 = arith.constant 0 : i32
      %dma_start3A_547 = tpu.memref_slice %arg7[%dma_start3A_544, %dma_start3A_545, %dma_start3A_546] : memref<10x64x128xf32, #tpu.memory_space<vmem>> -> memref<1x64x128xf32, #tpu.memory_space<vmem>>
      %dma_start3A_548 = tpu.memref_squeeze %dma_start3A_547 : memref<1x64x128xf32, #tpu.memory_space<vmem>> -> memref<64x128xf32, #tpu.memory_space<vmem>>
      %dma_start3A_549 = arith.constant 0 : i32
      %dma_start3A_550 = tpu.memref_slice %arg4[%add3A_543, %dma_start3A_549] : memref<819200x128xf32, #tpu.memory_space<hbm>> -> memref<64x128xf32, #tpu.memory_space<hbm>>
      %dma_start3A_551 = arith.constant 0 : i32
      %dma_start3A_552 = tpu.memref_slice %arg4[%add3A_543, %dma_start3A_551] : memref<819200x128xf32, #tpu.memory_space<hbm>> -> memref<64x128xf32, #tpu.memory_space<hbm>>
      %dma_start3A_553 = arith.constant 0 : i32
      %dma_start3A_554 = arith.constant 0 : i32
      %dma_start3A_555 = tpu.memref_slice %arg7[%dma_start3A_544, %dma_start3A_553, %dma_start3A_554] : memref<10x64x128xf32, #tpu.memory_space<vmem>> -> memref<1x64x128xf32, #tpu.memory_space<vmem>>
      %dma_start3A_556 = tpu.memref_squeeze %dma_start3A_555 : memref<1x64x128xf32, #tpu.memory_space<vmem>> -> memref<64x128xf32, #tpu.memory_space<vmem>>
      tpu.enqueue_dma source(%dma_start3A_556 : memref<64x128xf32, #tpu.memory_space<vmem>>) target(%dma_start3A_552 : memref<64x128xf32, #tpu.memory_space<hbm>>) target_semaphore(%arg27 : memref<!tpu.dma_semaphore, #tpu.memory_space<semaphore_mem>>)
    }
    %scan3A_68 = arith.constant 40 : i32
    %add3A_69 = arith.constant 25344 : i32
    %add3A_70 = arith.addi %mul3A_2, %add3A_69 : i32
    %dma_wait3A = arith.constant 6 : i32
    %dma_wait3A_71 = arith.constant 0 : i32
    %dma_wait3A_72 = arith.constant 0 : i32
    %dma_wait3A_73 = tpu.memref_slice %arg7[%dma_wait3A, %dma_wait3A_71, %dma_wait3A_72] : memref<10x64x128xf32, #tpu.memory_space<vmem>> -> memref<1x64x128xf32, #tpu.memory_space<vmem>>
    %dma_wait3A_74 = tpu.memref_squeeze %dma_wait3A_73 : memref<1x64x128xf32, #tpu.memory_space<vmem>> -> memref<64x128xf32, #tpu.memory_space<vmem>>
    %dma_wait3A_75 = arith.constant 0 : i32
    %dma_wait3A_76 = tpu.memref_slice %arg4[%add3A_70, %dma_wait3A_75] : memref<819200x128xf32, #tpu.memory_space<hbm>> -> memref<64x128xf32, #tpu.memory_space<hbm>>
    %dma_wait3A_77 = arith.constant 0 : i32
    %dma_wait3A_78 = tpu.memref_slice %arg4[%add3A_70, %dma_wait3A_77] : memref<819200x128xf32, #tpu.memory_space<hbm>> -> memref<64x128xf32, #tpu.memory_space<hbm>>
    %dma_wait3A_79 = arith.constant 0 : i32
    %dma_wait3A_80 = arith.constant 0 : i32
    %dma_wait3A_81 = tpu.memref_slice %arg7[%dma_wait3A, %dma_wait3A_79, %dma_wait3A_80] : memref<10x64x128xf32, #tpu.memory_space<vmem>> -> memref<1x64x128xf32, #tpu.memory_space<vmem>>
    %dma_wait3A_82 = tpu.memref_squeeze %dma_wait3A_81 : memref<1x64x128xf32, #tpu.memory_space<vmem>> -> memref<64x128xf32, #tpu.memory_space<vmem>>
    tpu.wait_dma2 semaphore(%arg24 : memref<!tpu.dma_semaphore, #tpu.memory_space<semaphore_mem>>) src(%dma_wait3A_82 : memref<64x128xf32, #tpu.memory_space<vmem>>) dst(%dma_wait3A_78 : memref<64x128xf32, #tpu.memory_space<hbm>>)
    %add3A_83 = arith.constant 25408 : i32
    %add3A_84 = arith.addi %mul3A_2, %add3A_83 : i32
    %dma_wait3A_85 = arith.constant 7 : i32
    %dma_wait3A_86 = arith.constant 0 : i32
    %dma_wait3A_87 = arith.constant 0 : i32
    %dma_wait3A_88 = tpu.memref_slice %arg7[%dma_wait3A_85, %dma_wait3A_86, %dma_wait3A_87] : memref<10x64x128xf32, #tpu.memory_space<vmem>> -> memref<1x64x128xf32, #tpu.memory_space<vmem>>
    %dma_wait3A_89 = tpu.memref_squeeze %dma_wait3A_88 : memref<1x64x128xf32, #tpu.memory_space<vmem>> -> memref<64x128xf32, #tpu.memory_space<vmem>>
    %dma_wait3A_90 = arith.constant 0 : i32
    %dma_wait3A_91 = tpu.memref_slice %arg4[%add3A_84, %dma_wait3A_90] : memref<819200x128xf32, #tpu.memory_space<hbm>> -> memref<64x128xf32, #tpu.memory_space<hbm>>
    %dma_wait3A_92 = arith.constant 0 : i32
    %dma_wait3A_93 = tpu.memref_slice %arg4[%add3A_84, %dma_wait3A_92] : memref<819200x128xf32, #tpu.memory_space<hbm>> -> memref<64x128xf32, #tpu.memory_space<hbm>>
    %dma_wait3A_94 = arith.constant 0 : i32
    %dma_wait3A_95 = arith.constant 0 : i32
    %dma_wait3A_96 = tpu.memref_slice %arg7[%dma_wait3A_85, %dma_wait3A_94, %dma_wait3A_95] : memref<10x64x128xf32, #tpu.memory_space<vmem>> -> memref<1x64x128xf32, #tpu.memory_space<vmem>>
    %dma_wait3A_97 = tpu.memref_squeeze %dma_wait3A_96 : memref<1x64x128xf32, #tpu.memory_space<vmem>> -> memref<64x128xf32, #tpu.memory_space<vmem>>
    tpu.wait_dma2 semaphore(%arg25 : memref<!tpu.dma_semaphore, #tpu.memory_space<semaphore_mem>>) src(%dma_wait3A_97 : memref<64x128xf32, #tpu.memory_space<vmem>>) dst(%dma_wait3A_93 : memref<64x128xf32, #tpu.memory_space<hbm>>)
    %add3A_98 = arith.constant 25472 : i32
    %add3A_99 = arith.addi %mul3A_2, %add3A_98 : i32
    %dma_wait3A_100 = arith.constant 8 : i32
    %dma_wait3A_101 = arith.constant 0 : i32
    %dma_wait3A_102 = arith.constant 0 : i32
    %dma_wait3A_103 = tpu.memref_slice %arg7[%dma_wait3A_100, %dma_wait3A_101, %dma_wait3A_102] : memref<10x64x128xf32, #tpu.memory_space<vmem>> -> memref<1x64x128xf32, #tpu.memory_space<vmem>>
    %dma_wait3A_104 = tpu.memref_squeeze %dma_wait3A_103 : memref<1x64x128xf32, #tpu.memory_space<vmem>> -> memref<64x128xf32, #tpu.memory_space<vmem>>
    %dma_wait3A_105 = arith.constant 0 : i32
    %dma_wait3A_106 = tpu.memref_slice %arg4[%add3A_99, %dma_wait3A_105] : memref<819200x128xf32, #tpu.memory_space<hbm>> -> memref<64x128xf32, #tpu.memory_space<hbm>>
    %dma_wait3A_107 = arith.constant 0 : i32
    %dma_wait3A_108 = tpu.memref_slice %arg4[%add3A_99, %dma_wait3A_107] : memref<819200x128xf32, #tpu.memory_space<hbm>> -> memref<64x128xf32, #tpu.memory_space<hbm>>
    %dma_wait3A_109 = arith.constant 0 : i32
    %dma_wait3A_110 = arith.constant 0 : i32
    %dma_wait3A_111 = tpu.memref_slice %arg7[%dma_wait3A_100, %dma_wait3A_109, %dma_wait3A_110] : memref<10x64x128xf32, #tpu.memory_space<vmem>> -> memref<1x64x128xf32, #tpu.memory_space<vmem>>
    %dma_wait3A_112 = tpu.memref_squeeze %dma_wait3A_111 : memref<1x64x128xf32, #tpu.memory_space<vmem>> -> memref<64x128xf32, #tpu.memory_space<vmem>>
    tpu.wait_dma2 semaphore(%arg26 : memref<!tpu.dma_semaphore, #tpu.memory_space<semaphore_mem>>) src(%dma_wait3A_112 : memref<64x128xf32, #tpu.memory_space<vmem>>) dst(%dma_wait3A_108 : memref<64x128xf32, #tpu.memory_space<hbm>>)
    %add3A_113 = arith.constant 25536 : i32
    %add3A_114 = arith.addi %mul3A_2, %add3A_113 : i32
    %dma_wait3A_115 = arith.constant 9 : i32
    %dma_wait3A_116 = arith.constant 0 : i32
    %dma_wait3A_117 = arith.constant 0 : i32
    %dma_wait3A_118 = tpu.memref_slice %arg7[%dma_wait3A_115, %dma_wait3A_116, %dma_wait3A_117] : memref<10x64x128xf32, #tpu.memory_space<vmem>> -> memref<1x64x128xf32, #tpu.memory_space<vmem>>
    %dma_wait3A_119 = tpu.memref_squeeze %dma_wait3A_118 : memref<1x64x128xf32, #tpu.memory_space<vmem>> -> memref<64x128xf32, #tpu.memory_space<vmem>>
    %dma_wait3A_120 = arith.constant 0 : i32
    %dma_wait3A_121 = tpu.memref_slice %arg4[%add3A_114, %dma_wait3A_120] : memref<819200x128xf32, #tpu.memory_space<hbm>> -> memref<64x128xf32, #tpu.memory_space<hbm>>
    %dma_wait3A_122 = arith.constant 0 : i32
    %dma_wait3A_123 = tpu.memref_slice %arg4[%add3A_114, %dma_wait3A_122] : memref<819200x128xf32, #tpu.memory_space<hbm>> -> memref<64x128xf32, #tpu.memory_space<hbm>>
    %dma_wait3A_124 = arith.constant 0 : i32
    %dma_wait3A_125 = arith.constant 0 : i32
    %dma_wait3A_126 = tpu.memref_slice %arg7[%dma_wait3A_115, %dma_wait3A_124, %dma_wait3A_125] : memref<10x64x128xf32, #tpu.memory_space<vmem>> -> memref<1x64x128xf32, #tpu.memory_space<vmem>>
    %dma_wait3A_127 = tpu.memref_squeeze %dma_wait3A_126 : memref<1x64x128xf32, #tpu.memory_space<vmem>> -> memref<64x128xf32, #tpu.memory_space<vmem>>
    tpu.wait_dma2 semaphore(%arg27 : memref<!tpu.dma_semaphore, #tpu.memory_space<semaphore_mem>>) src(%dma_wait3A_127 : memref<64x128xf32, #tpu.memory_space<vmem>>) dst(%dma_wait3A_123 : memref<64x128xf32, #tpu.memory_space<hbm>>)
    return
  }
}

</mosaic_0001>

<sc_bundles>
// kernel: kernel.3.cloned.1.call-start
scs
__scs_entry_jumppad:
0x0: {  	(pc) =	sbr.rel $0x88, $3  }
0x1: {  	(tag) =	ssettag $0x0;
	lr =	simm.s32 $0x1  }
0x2: {  	[smem:$0x3F9F] =	sst lr;
	_ =	strace $0xD0000000  }
0x3: {  	_ = 	snop  }
0x4: {  	_ = 	snop  }
0x5: {  	_ = 	snop  }
0x6: {  	_ = 	snop  }
0x7: {  	_ = 	snop  }
__scs_overlays_trampoline_lowered:
0x8: {  	[smem:$0x3FAE] =	sst s0  }
0x9: {  	[smem:$0x3FAF] =	sst s1  }
0xa: {  	[smem:$0x3FB0] =	sst s2  }
0xb: {  	[smem:$0x3FB1] =	sst s3  }
0xc: {  	[smem:$0x3FB2] =	sst s4  }
0xd: {  	[smem:$0x3FB3] =	sst s5  }
0xe: {  	[smem:$0x3FB4] =	sst s6  }
0xf: {  	[smem:$0x3FB5] =	sst s7  }
0x10: {  	[smem:$0x3FB6] =	sst s8  }
0x11: {  	[smem:$0x3FB7] =	sst s9;
	s0 =	simm.s32 @!p0 $0x0  }
0x12: {  	s1 =	sld [smem:$0x3F9D];
	s0 =	simm.s32 @p0 $0x1  }
0x13: {  	[smem:$0x3FB8] =	sst s0;
	s0 =	simm.s32 @!p1 $0x0  }
0x14: {  	s2 =	sld [smem:$0x3F9C];
	s0 =	simm.s32 @p1 $0x1  }
0x15: {  	[smem:$0x3FB9] =	sst s0;
	s0 =	simm.s32 @!p2 $0x0  }
0x16: {  	s3 =	sld [smem:$0x3FDB];
	s0 =	simm.s32 @p2 $0x1  }
0x17: {  	s4 =	simm.s32 $0x1BF5;
	[smem:$0x3FBB] =	sst s0  }
0x18: {  	s0 =	sld [smem:$0x3F9E];
	_ =	swait.ge [sflag:s4], $0x0  }
0x19: {  	s7 =	sld [smem:$0x3F9F]  }
0x1a: {  	s8 =	sadd.s32 $0xFFFFE003, lr  }
0x1b: {  	s9 =	sadd.s32 $0xFFFFFEF7, lr;
	s5 =	simm.s32 $0xFFFFFFFF;
	p2 =	slt.u32 s8, $0xFFFFF086  }
0x1c: {  	p1 =	slt.u32 s9, $0xF7A;
	s5 =	simm.s32 @!p2 $0x0  }
0x1d: {  	s5 =	simm.s32 @p1 $0x1;
	p0 =	seq.s32 s7, s2  }
0x1e: {  	s7 =	smul.u32 @!p0 $0xF7A, s2;
	p2 =	seq.s32 @!p0 s5, $0x0  }
0x1f: {  	s9 =	smul.u32 $0xF7A, s1;
	s8 =	simm.s32 @!p0 $0x1BF5;
	p2 =	por !p2, p0  }
0x20: {  	[sflag:s8] =	ssyncset.s32 @!p0 $0xFFFFF086;
	s6 =	sadd.s32 @!p0 s3, s7;
	s7 =	simm.s32 @!p0 $0x108  }
0x21: {  	s3 =	sadd.s32 s3, s9;
	s6 =	sadd.s32 @!p0 $0x88, s6;
	s7 =	simm.s32 @p2 $0x1082  }
0x22: {  	[simem:s7], [sflag:s8] =	dma.local @!p0 [hbm:s6], $0xF7A  }
0x23: {  	s9 =	sor.u32 $0xD0000000, s2;
	s6 =	simm.s32 $0x108;
	_ =	swait.ge @!p0 [sflag:s8], $0x0  }
0x24: {  	s3 =	sadd.s32 $0x88, s3;
	s6 =	simm.s32 @!p1 $0x1082;
	[sflag:s4] =	ssyncset.s32 $0xFFFFF086  }
0x25: {  	[simem:s6], [sflag:s4] =	dma.local [hbm:s3], $0xF7A  }
0x26: {  	[smem:$0x3F9F] =	sst s1;
	(tag) =	ssettag s2;
	_ =	strace s9  }
0x27: {  	s1 =	sld [smem:$0x3FAF]  }
0x28: {  	s2 =	sld [smem:$0x3FB0]  }
0x29: {  	s4 =	sld [smem:$0x3FB2]  }
0x2a: {  	p0 =	seq.s32 s5, $0x0;
	s5 =	sld [smem:$0x3FB3]  }
0x2b: {  	s6 =	sld [smem:$0x3FB4]  }
0x2c: {  	s7 =	sld [smem:$0x3FB5]  }
0x2d: {  	s3 =	simm.s32 $0x108;
	s8 =	sld [smem:$0x3FB6]  }
0x2e: {  	s3 =	simm.s32 @!p0 $0x1082;
	s9 =	sld [smem:$0x3FB7]  }
0x2f: {  	lr =	sadd.s32 s0, s3;
	s0 =	sld [smem:$0x3FAE]  }
0x30: {  	s3 =	sld [smem:$0x3FB1]  }
0x31: {  	[smem:$0x3FBA] =	sst s10  }
0x32: {  	s10 =	sld [smem:$0x3FB8];
	_ =	sdelay $0x3  }
0x33: {  	p0 =	seq.s32 s10, $0x1;
	s10 =	sld [smem:$0x3FBA];
	_ =	sdelay $0x3  }
0x34: {  	[smem:$0x3FBA] =	sst s10  }
0x35: {  	s10 =	sld [smem:$0x3FB9];
	_ =	sdelay $0x3  }
0x36: {  	p1 =	seq.s32 s10, $0x1;
	s10 =	sld [smem:$0x3FBA];
	_ =	sdelay $0x3  }
0x37: {  	[smem:$0x3FBA] =	sst s10  }
0x38: {  	s10 =	sld [smem:$0x3FBB]  }
0x39: {  	_ = 	snop;
	(pc) =	sbr.ind lr, $3  }
0x3a: {  	_ = 	snop  }
0x3b: {  	_ = 	snop  }
0x3c: {  	p2 =	seq.s32 s10, $0x1;
	s10 =	sld [smem:$0x3FBA]  }
0x3d: {  	_ =	shalt  }
0x3e: {  	_ =	shalt  }
0x3f: {  	_ =	shalt  }
0x40: {  	_ =	shalt  }
0x41: {  	_ =	shalt  }
0x42: {  	_ =	shalt  }
0x43: {  	_ =	shalt  }
0x44: {  	_ =	shalt  }
0x45: {  	_ =	shalt  }
0x46: {  	_ =	shalt  }
0x47: {  	_ =	shalt  }
0x48: {  	_ =	shalt  }
0x49: {  	_ =	shalt  }
0x4a: {  	_ =	shalt  }
0x4b: {  	_ =	shalt  }
0x4c: {  	_ =	shalt  }
0x4d: {  	_ =	shalt  }
0x4e: {  	_ =	shalt  }
0x4f: {  	_ =	shalt  }
0x50: {  	_ =	shalt  }
0x51: {  	_ =	shalt  }
0x52: {  	_ =	shalt  }
0x53: {  	_ =	shalt  }
0x54: {  	_ =	shalt  }
0x55: {  	_ =	shalt  }
0x56: {  	_ =	shalt  }
0x57: {  	_ =	shalt  }
0x58: {  	_ =	shalt  }
0x59: {  	_ =	shalt  }
0x5a: {  	_ =	shalt  }
0x5b: {  	_ =	shalt  }
0x5c: {  	_ =	shalt  }
0x5d: {  	_ =	shalt  }
0x5e: {  	_ =	shalt  }
0x5f: {  	_ =	shalt  }
0x60: {  	_ =	shalt  }
0x61: {  	_ =	shalt  }
0x62: {  	_ =	shalt  }
0x63: {  	_ =	shalt  }
0x64: {  	_ =	shalt  }
0x65: {  	_ =	shalt  }
0x66: {  	_ =	shalt  }
0x67: {  	_ =	shalt  }
0x68: {  	_ =	shalt  }
0x69: {  	_ =	shalt  }
0x6a: {  	_ =	shalt  }
0x6b: {  	_ =	shalt  }
0x6c: {  	_ =	shalt  }
0x6d: {  	_ =	shalt  }
0x6e: {  	_ =	shalt  }
0x6f: {  	_ =	shalt  }
0x70: {  	_ =	shalt  }
0x71: {  	_ =	shalt  }
0x72: {  	_ =	shalt  }
0x73: {  	_ =	shalt  }
0x74: {  	_ =	shalt  }
0x75: {  	_ =	shalt  }
0x76: {  	_ =	shalt  }
0x77: {  	_ =	shalt  }
0x78: {  	_ =	shalt  }
0x79: {  	_ =	shalt  }
0x7a: {  	_ =	shalt  }
0x7b: {  	_ =	shalt  }
0x7c: {  	_ =	shalt  }
0x7d: {  	_ =	shalt  }
0x7e: {  	_ =	shalt  }
0x7f: {  	_ =	shalt  }
0x80: {  	_ =	shalt  }
0x81: {  	_ =	shalt  }
0x82: {  	_ =	shalt  }
0x83: {  	_ =	shalt  }
0x84: {  	_ =	shalt  }
0x85: {  	_ =	shalt  }
0x86: {  	_ =	shalt  }
0x87: {  	_ =	shalt  }
.Lfunc_end0:
.L_simem_size_0:
called_computation_lowered:
.L_overlay_start_0:
0x88: {  	s2 =	sld [smem:$0x3FD9]  }
0x89: {  	s3 =	sld [smem:$0x3FFE];
	_ =	sdelay $0x1  }
0x8a: {  	s1 =	srdreg.scid  }
0x8b: {  	s0 =	sand.u32 $0x1, s1  }
0x8c: {  	s17 =	sshll.u32 s0, $0xA;
	s2 =	sadd.s32 s3, s2  }
0x8d: {  	s2 =	sadd.s32 s2, s17  }
0x8e: {  	[smem:$0x3FC6] =	sst s2  }
0x8f: {  	_ = 	snop  }
0x90: {  	s2 =	sld [smem:$0x3FC8]  }
0x91: {  	s18 =	sld [smem:$0x3FD0];
	(tm) =	ssettm $0x1  }
0x92: {  	s4 =	sld [smem:$0x3FFB];
	_ =	sdelay $0x3  }
0x93: {  	_ =	strace s4  }
0x94: {  	s4 =	sld [smem:$0x3FFC];
	_ =	sdelay $0x3  }
0x95: {  	_ =	strace s4  }
0x96: {  	s4 =	sld [smem:$0x3FFD];
	_ =	sdelay $0x3  }
0x97: {  	_ =	strace s4  }
0x98: {  	_ =	strace $0x8FFFFFFF  }
0x99: {  	s19 =	sld [smem:$0x3FDB];
	_ =	sdelay $0x1  }
0x9a: {  	s5 =	simm.s32 $_scs_section_size  }
0x9b: {  	s6 =	simm.s32 $_size__tile_overlayer_lowered;
	s7 =	simm.s32 $_tile_overlayer_lowered  }
0x9c: {  	s22 =	simm.s32 $0x1BFF;
	s21 =	sshll.u32 s7, $0x1;
	s4 =	sadd.s32 s5, s19  }
0x9d: {  	s8 =	simm.s32 $0x0;
	s20 =	sshll.u32 s6, $0x1;
	s6 =	sadd.s32 s21, s4  }
0x9e: {  	[timem:s8], [sflag:s22] =	dma.local [hbm:s6], s20  }
0x9f: {  	_ =	swait.ge [sflag:s22], s20  }
0xa0: {  	s5 =	ssub.s32 $0x0, s20;
	[sflag:s22] =	ssyncset.done $0x0  }
0xa1: {  	[sflag:s22] =	ssyncadd.s32 s5;
	_ =	sdelay $0x1  }
0xa2: {  	s23 =	simm.s32 $0x1B8B  }
0xa3: {  	_ =	swait.ge [sflag:s23], $0x1  }
0xa4: {  	[sflag:s23] =	ssyncset.done $0x0  }
0xa5: {  	s25 =	simm.s32 $0x1B8E;
	s24 =	sld [smem:$0x3FFE];
	[sflag:s23] =	ssyncadd.s32 $0xFFFFFFFF  }
0xa6: {  	s26 =	simm.s32 $execute0_lowered;
	[smem:$0x3FD2] =	sst s25  }
0xa7: {  	s6 =	sshll.u32 s26, $0x1;
	_ =	strace $0x80000046;
	[dreg:$0x1] =	wrdreg $0xFFFFFFFF  }
0xa8: {  	s28 =	simm.s32 $_size_execute0_lowered;
	s4 =	sadd.s32 s4, s6;
	[dreg:$0x0] =	wrdreg $0x0  }
0xa9: {  	s6 =	sshll.u32 s28, $0x1;
	[dreg:$0x2] =	wrdreg s4  }
0xaa: {  	[dreg:$0x3] =	wrdreg s6  }
0xab: {  	[dreg:$0x4] =	wrdreg $0xC0  }
0xac: {  	_ =	task [dreg:s8], $0x5FFFF  }
0xad: {  	[dreg:$0x1] =	wrdreg $0xFFFFFFFF  }
0xae: {  	[dreg:$0x0] =	wrdreg $0x60  }
0xaf: {  	[dreg:$0x2] =	wrdreg s24  }
0xb0: {  	[dreg:$0x3] =	wrdreg s2  }
0xb1: {  	[dreg:$0x4] =	wrdreg s18  }
0xb2: {  	[dreg:$0x5] =	wrdreg $0x0  }
0xb3: {  	[dreg:$0x6] =	wrdreg $0x9  }
0xb4: {  	_ =	task.clear_ibuf [dreg:s8], $0x7FFFF;
	_ =	strace $0x90000046  }
0xb5: {  	s29 =	simm.s32 $0x9;
	_ =	strace $0x80000048  }
0xb6: {  	_ =	swait.ge [sflag:s29], $0x1  }
0xb7: {  	[sflag:s29] =	ssyncadd.s32 $0xFFFFFFFF  }
0xb8: {  	_ =	strace $0x90000048  }
0xb9: {  	_ =	sfence  }
0xba: {  	s30 =	sld [smem:$0x0];
	_ =	sdelay $0x2  }
0xbb: {  	s31 =	sshll.u32 s1, $0xD;
	s1 =	sshrl.u32 s1, $0x2  }
0xbc: {  	s3 =	sand.u32 $0x4000, s31;
	s1 =	sadd.s32 s1, s30  }
0xbd: {  	s0 =	sor.u32 s3, s0;
	s1 =	sshll.u32 s1, $0x11  }
0xbe: {  	s0 =	sor.u32 s1, s0  }
0xbf: {  	s0 =	sadd.s32 $0x8F2B, s0  }
0xc0: {  	[sflag:s0] =	ssyncadd.remote.s32 $0x1  }
0xc1: {  	_ =	sfence.sel $0xFFFF  }
0xc2: {  	[dreg:$0x0] =	wrdreg $0xFFFFFFFF;
	(pc) =	sbr.abs _section_cstart, $3  }
0xc3: {  	[dreg:$0x1] =	wrdreg $0xFFFFFFFF  }
0xc4: {  	_ =	task.clear_ibuf [dreg:s8], $0x2FFFF;
	_ =	strace $0x9FFFFFFF  }
0xc5: {  	(tm) =	ssettm $0x7FFFFFFF  }
tec
execute0_lowered:
.L_overlay_start_1:
0x0: {  	(tag) =	ssettag $0x1  }
0x1: {  	s0 =	rddreg [dreg:$0x0]  }
0x2: {  	s1 =	srdreg.scid;
	s2 =	stileid.u32  }
0x3: {  	s28 =	simm.s32 $0x3;
	s30 =	simm.s32 $0x4;
	s6 =	smul.u32 $0xC8000, s2  }
0x4: {  	s31 =	simm.s32 $0xB;
	s1 =	sand.u32 $0x1, s1;
	s7 =	smul.u32 $0x640000, s2  }
0x5: {  	s29 =	simm.s32 $0x127B8;
	s3 =	sshll.u32 s2, $0x1;
	s9 =	smul.u32 $0x320000, s1  }
0x6: {  	s4 =	sor.u32 s1, s3;
	s8 =	ssub.s32 $0x2, s1;
	s1 =	smul.u32 $0x64000, s1  }
0x7: {  	s3 =	rddreg [dreg:$0x3];
	s5 =	smul.u32 $0x6400, s4;
	s4 =	simm.s32 $0x0  }
0x8: {  	p0 =	sne.s32 s2, $0x0;
	s10 =	sshrl.u32 s8, $0x1;
	[smem:$0x7FF] =	sst s4  }
0x9: {  	s10 =	ssub.s32 s8, s10;
	s7 =	sadd.s32 s9, s7;
	s11 =	sadd.s32 s1, s6  }
0xa: {  	s1 =	simm.s32 $0x5;
	s8 =	simm.s32 $0x9;
	s6 =	simm.s32 $0x10  }
0xb: {  	_ =	strace $0x80000047;
	s5 =	sshrl.u32 s5, $0x3;
	s12 =	sor.u32 $0x12000, s7  }
0xc: {  	[dreg:$0x5] =	wrdreg s11;
	s14 =	sor.u32 $0x10000, s7;
	s16 =	sor.u32 $0xE000, s7  }
0xd: {  	s18 =	sor.u32 $0xC000, s7;
	s20 =	sor.u32 $0xA000, s7;
	s22 =	sor.u32 $0x6000, s7  }
0xe: {  	s24 =	sor.u32 $0x4000, s7;
	s26 =	smax.u32 s10, $0x1;
	s10 =	simm.s32 $0x40  }
0xf: {  	s7 =	simm.s32 $0xA;
	s13 =	sshrl.u32 s12, $0x3;
	[dreg:$0xe] =	wrdreg s26  }
0x10: {  	s11 =	simm.s32 $0x0;
	s15 =	sshrl.u32 s14, $0x3;
	[dreg:$0x6] =	wrdreg s13  }
0x11: {  	s0 =	sadd.s32 s5, s0;
	s17 =	sshrl.u32 s16, $0x3;
	[dreg:$0x7] =	wrdreg s15  }
0x12: {  	s19 =	sshrl.u32 s18, $0x3;
	s21 =	sshrl.u32 s20, $0x3;
	[dreg:$0x8] =	wrdreg s17  }
0x13: {  	s23 =	sshrl.u32 s22, $0x3;
	s25 =	sshrl.u32 s24, $0x3;
	[dreg:$0x9] =	wrdreg s19  }
0x14: {  	s26 =	simm.s32 $0x187B8;
	s12 =	simm.s32 $0x6;
	[dreg:$0xa] =	wrdreg s21  }
0x15: {  	s14 =	simm.s32 $0xD;
	s16 =	simm.s32 $0x7;
	[dreg:$0xb] =	wrdreg s23  }
0x16: {  	s18 =	simm.s32 $0xE;
	s0 =	sadd.s32 $0x400, s0;
	[dreg:$0xc] =	wrdreg s25  }
0x17: {  	s20 =	simm.s32 $0x8;
	[dreg:$0xd] =	wrdreg s0;
	s0 =	sshrl.u32 @!p0 s3, $0x3  }
0x18: {  	s5 =	simm.s32 $0xF;
	[dreg:$0xf] =	wrdreg s0;
	s0 =	simm.s32 $0xC  }
.LBB2_1:
0x19: {  	[dreg:$0x10] =	wrdreg s11  }
0x1a: {  	s9 =	rddreg [dreg:$0x1]  }
0x1b: {  	s2 =	simm.s32 @!p0 $0x1C15;
	s11 =	rddreg [dreg:$0xf]  }
0x1c: {  	[spmem:s11], [sflag:s2] =	dma.local @!p0 [hbm:s9], $0x770  }
0x1d: {  	s2 =	simm.s32 @!p0 $0x15  }
0x1e: {  	_ =	swait.ge @!p0 [sflag:s2], $0x770  }
0x1f: {  	s17 =	simm.s32 $0x3B8;
	[sflag:s2] =	ssyncset.done @!p0 $0x0  }
0x20: {  	s19 =	simm.s32 $0x15;
	s15 =	rddreg [dreg:$0xd];
	[sflag:s2] =	ssyncadd.s32 @!p0 $0xFFFFF890  }
0x21: {  	[tilespmem:s17], [sflag:$0x15] =	stream.linear.gather [hbm4b:s15+s4], $0x6400, $0x38;
	[tilespmem:$0x1A7B8] =	vst v63  }
0x22: {  	_ =	swait.ge [sflag:s19], $0x6400  }
0x23: {  	[sflag:s19] =	ssyncset.done $0x0  }
0x24: {  	[sflag:s19] =	ssyncadd.s32 $0xFFFF9C00  }
0x25: {  	s11 =	simm.s32 $0x67B8;
	[bflag:$0x0] =	sbarrier.arrive $0xFFFF  }
0x26: {  	[tilespmem:s11], [sflag:$0x1] =	stream.indirect.gather [spmem:s3], $0x80, s17, s10, $0xb8;
	[tilespmem:$0x1A7B8] =	vst v63  }
0x27: {  	s21 =	simm.s32 $0x3F8;
	s13 =	simm.s32 $0x87B8  }
0x28: {  	[tilespmem:s13], [sflag:$0x2] =	stream.indirect.gather [spmem:s3], $0x80, s21, s10, $0xb8;
	[tilespmem:$0x1A7B8] =	vst v63  }
0x29: {  	s22 =	simm.s32 $0x438;
	s17 =	simm.s32 $0xA7B8  }
0x2a: {  	[tilespmem:s17], [sflag:$0x3] =	stream.indirect.gather [spmem:s3], $0x80, s22, s10, $0xb8;
	[tilespmem:$0x1A7B8] =	vst v63  }
0x2b: {  	s23 =	simm.s32 $0x478;
	p1 =	por $0x1, $0x1;
	s19 =	simm.s32 $0xC7B8  }
0x2c: {  	[tilespmem:s19], [sflag:$0x4] =	stream.indirect.gather [spmem:s3], $0x80, s23, s10, $0xb8;
	[tilespmem:$0x1A7B8] =	vst v63  }
0x2d: {  	s24 =	simm.s32 $0x4B8;
	p1 =	por p1, p1;
	s21 =	simm.s32 $0xE7B8  }
0x2e: {  	[tilespmem:s21], [sflag:$0x5] =	stream.indirect.gather [spmem:s3], $0x80, s24, s10, $0xb8;
	[tilespmem:$0x1A7B8] =	vst v63  }
0x2f: {  	s25 =	simm.s32 $0x4F8;
	s2 =	simm.s32 @!p1 $0x11;
	s22 =	simm.s32 $0x107B8  }
0x30: {  	[tilespmem:s22], [sflag:$0x6] =	stream.indirect.gather [spmem:s3], $0x80, s25, s10, $0xb8;
	[tilespmem:$0x1A7B8] =	vst v63  }
0x31: {  	_ =	swait.ge @!p1 [sflag:s2], $0x2000  }
0x32: {  	s9 =	simm.s32 $0x538;
	[sflag:s2] =	ssyncset.done @!p1 $0x0  }
0x33: {  	s15 =	simm.s32 $0x1;
	s24 =	simm.s32 $0x127B8;
	[sflag:s2] =	ssyncadd.s32 @!p1 $0xFFFFE000  }
0x34: {  	[tilespmem:s24], [sflag:$0x7] =	stream.indirect.gather [spmem:s3], $0x80, s9, s10, $0xb8;
	[tilespmem:$0x1A7B8] =	vst v63  }
0x35: {  	_ =	swait.ge [sflag:s15], $0x2000  }
0x36: {  	[sflag:s15] =	ssyncset.done $0x0  }
0x37: {  	s23 =	rddreg [dreg:$0x5];
	[sflag:s15] =	ssyncadd.s32 $0xFFFFE000  }
0x38: {  	s15 =	rddreg [dreg:$0x2]  }
0x39: {  	s9 =	simm.s32 @!p1 $0x12;
	s2 =	sadd.s32 s15, s23  }
0x3a: {  	[hbm4b:s2+s4] =	stream.linear.scatter [tilespmem:s11], [sflag:$0xB], $0x2000, $0x38;
	[tilespmem:$0x1A7B8] =	vst v63  }
0x3b: {  	_ =	swait.ge @!p1 [sflag:s9], $0x2000  }
0x3c: {  	s25 =	simm.s32 $0x578;
	[sflag:s9] =	ssyncset.done @!p1 $0x0  }
0x3d: {  	s23 =	simm.s32 $0x147B8;
	s11 =	simm.s32 $0x2;
	[sflag:s9] =	ssyncadd.s32 @!p1 $0xFFFFE000  }
0x3e: {  	[tilespmem:s23], [sflag:$0x8] =	stream.indirect.gather [spmem:s3], $0x80, s25, s10, $0xb8;
	[tilespmem:$0x1A7B8] =	vst v63  }
0x3f: {  	_ =	swait.ge [sflag:s11], $0x2000  }
0x40: {  	[sflag:s11] =	ssyncset.done $0x0  }
0x41: {  	s25 =	sadd.s32 $0x400, s2;
	[sflag:s11] =	ssyncadd.s32 $0xFFFFE000;
	s11 =	simm.s32 @!p1 $0x13  }
0x42: {  	[hbm4b:s25+s4] =	stream.linear.scatter [tilespmem:s13], [sflag:$0xC], $0x2000, $0x38;
	[tilespmem:$0x1A7B8] =	vst v63  }
0x43: {  	_ =	swait.ge @!p1 [sflag:s11], $0x2000  }
0x44: {  	[sflag:s11] =	ssyncset.done @!p1 $0x0  }
0x45: {  	s13 =	simm.s32 $0x5B8;
	s25 =	simm.s32 $0x167B8;
	[sflag:s11] =	ssyncadd.s32 @!p1 $0xFFFFE000  }
0x46: {  	[tilespmem:s25], [sflag:$0x9] =	stream.indirect.gather [spmem:s3], $0x80, s13, s10, $0xb8;
	[tilespmem:$0x1A7B8] =	vst v63  }
0x47: {  	_ =	swait.ge [sflag:s28], $0x2000  }
0x48: {  	s11 =	rddreg [dreg:$0xc];
	[sflag:s28] =	ssyncset.done $0x0  }
0x49: {  	[sflag:s28] =	ssyncadd.s32 $0xFFFFE000;
	s9 =	sadd.s32 s15, s11;
	s11 =	simm.s32 @!p1 $0x14  }
0x4a: {  	[hbm4b:s9+s4] =	stream.linear.scatter [tilespmem:s17], [sflag:$0xD], $0x2000, $0x38;
	[tilespmem:$0x1A7B8] =	vst v63  }
0x4b: {  	_ =	swait.ge @!p1 [sflag:s11], $0x2000  }
0x4c: {  	[sflag:s11] =	ssyncset.done @!p1 $0x0  }
0x4d: {  	s13 =	simm.s32 $0x5F8;
	[sflag:s11] =	ssyncadd.s32 @!p1 $0xFFFFE000  }
0x4e: {  	[tilespmem:s26], [sflag:$0xA] =	stream.indirect.gather [spmem:s3], $0x80, s13, s10, $0xb8;
	[tilespmem:$0x1A7B8] =	vst v63  }
0x4f: {  	_ =	swait.ge [sflag:s30], $0x2000  }
0x50: {  	s17 =	rddreg [dreg:$0xb];
	[sflag:s30] =	ssyncset.done $0x0  }
0x51: {  	[sflag:s30] =	ssyncadd.s32 $0xFFFFE000;
	s9 =	sadd.s32 s15, s17  }
0x52: {  	[hbm4b:s9+s4] =	stream.linear.scatter [tilespmem:s19], [sflag:$0xE], $0x2000, $0x38;
	[tilespmem:$0x1A7B8] =	vst v63  }
0x53: {  	p1 =	por $0x0, $0x0;
	_ =	swait.ge [sflag:s31], $0x2000  }
0x54: {  	s11 =	simm.s32 @!p1 $0x638;
	[sflag:s31] =	ssyncset.done $0x0  }
0x55: {  	s13 =	simm.s32 @!p1 $0x40;
	s9 =	simm.s32 @!p1 $0x67B8;
	[sflag:s31] =	ssyncadd.s32 $0xFFFFE000  }
0x56: {  	[tilespmem:s9], [sflag:$0x1] =	stream.indirect.gather @!p1 [spmem:s3], $0x80, s11, s13, $0xb8;
	[tilespmem:$0x1A7B8] =	vst v63  }
0x57: {  	_ =	swait.ge [sflag:s1], $0x2000  }
0x58: {  	[sflag:s1] =	ssyncset.done $0x0  }
0x59: {  	s2 =	sadd.s32 $0x1000, s2;
	[sflag:s1] =	ssyncadd.s32 $0xFFFFE000  }
0x5a: {  	[hbm4b:s2+s4] =	stream.linear.scatter [tilespmem:s21], [sflag:$0xF], $0x2000, $0x38;
	[tilespmem:$0x1A7B8] =	vst v63  }
0x5b: {  	_ =	swait.ge [sflag:s0], $0x2000  }
0x5c: {  	[sflag:s0] =	ssyncset.done $0x0  }
0x5d: {  	s9 =	simm.s32 @!p1 $0x87B8;
	s2 =	simm.s32 @!p1 $0x678;
	[sflag:s0] =	ssyncadd.s32 $0xFFFFE000  }
0x5e: {  	[tilespmem:s9], [sflag:$0x2] =	stream.indirect.gather @!p1 [spmem:s3], $0x80, s2, s13, $0xb8;
	[tilespmem:$0x1A7B8] =	vst v63  }
0x5f: {  	_ =	swait.ge [sflag:s12], $0x2000  }
0x60: {  	s19 =	rddreg [dreg:$0xa];
	[sflag:s12] =	ssyncset.done $0x0  }
0x61: {  	[sflag:s12] =	ssyncadd.s32 $0xFFFFE000;
	s2 =	sadd.s32 s15, s19  }
0x62: {  	[hbm4b:s2+s4] =	stream.linear.scatter [tilespmem:s22], [sflag:$0x10], $0x2000, $0x38;
	[tilespmem:$0x1A7B8] =	vst v63  }
0x63: {  	_ =	swait.ge [sflag:s14], $0x2000  }
0x64: {  	[sflag:s14] =	ssyncset.done $0x0  }
0x65: {  	s9 =	simm.s32 @!p1 $0xA7B8;
	s2 =	simm.s32 @!p1 $0x6B8;
	[sflag:s14] =	ssyncadd.s32 $0xFFFFE000  }
0x66: {  	[tilespmem:s9], [sflag:$0x3] =	stream.indirect.gather @!p1 [spmem:s3], $0x80, s2, s13, $0xb8;
	[tilespmem:$0x1A7B8] =	vst v63  }
0x67: {  	_ =	swait.ge [sflag:s16], $0x2000  }
0x68: {  	s21 =	rddreg [dreg:$0x9];
	[sflag:s16] =	ssyncset.done $0x0  }
0x69: {  	[sflag:s16] =	ssyncadd.s32 $0xFFFFE000;
	s2 =	sadd.s32 s15, s21  }
0x6a: {  	[hbm4b:s2+s4] =	stream.linear.scatter [tilespmem:s24], [sflag:$0x11], $0x2000, $0x38;
	[tilespmem:$0x1A7B8] =	vst v63  }
0x6b: {  	_ =	swait.ge [sflag:s18], $0x2000  }
0x6c: {  	[sflag:s18] =	ssyncset.done $0x0  }
0x6d: {  	s9 =	simm.s32 @!p1 $0xC7B8;
	s2 =	simm.s32 @!p1 $0x6F8;
	[sflag:s18] =	ssyncadd.s32 $0xFFFFE000  }
0x6e: {  	[tilespmem:s9], [sflag:$0x4] =	stream.indirect.gather @!p1 [spmem:s3], $0x80, s2, s13, $0xb8;
	[tilespmem:$0x1A7B8] =	vst v63  }
0x6f: {  	_ =	swait.ge [sflag:s20], $0x2000  }
0x70: {  	s22 =	rddreg [dreg:$0x8];
	[sflag:s20] =	ssyncset.done $0x0  }
0x71: {  	[sflag:s20] =	ssyncadd.s32 $0xFFFFE000;
	s2 =	sadd.s32 s15, s22  }
0x72: {  	[hbm4b:s2+s4] =	stream.linear.scatter [tilespmem:s23], [sflag:$0x12], $0x2000, $0x38;
	[tilespmem:$0x1A7B8] =	vst v63  }
0x73: {  	_ =	swait.ge [sflag:s5], $0x2000  }
0x74: {  	[sflag:s5] =	ssyncset.done $0x0  }
0x75: {  	s9 =	simm.s32 @!p1 $0xE7B8;
	s2 =	simm.s32 @!p1 $0x738;
	[sflag:s5] =	ssyncadd.s32 $0xFFFFE000  }
0x76: {  	[tilespmem:s9], [sflag:$0x5] =	stream.indirect.gather @!p1 [spmem:s3], $0x80, s2, s13, $0xb8;
	[tilespmem:$0x1A7B8] =	vst v63  }
0x77: {  	_ =	swait.ge [sflag:s8], $0x2000  }
0x78: {  	s24 =	rddreg [dreg:$0x7];
	[sflag:s8] =	ssyncset.done $0x0  }
0x79: {  	[sflag:s8] =	ssyncadd.s32 $0xFFFFE000;
	s2 =	sadd.s32 s15, s24  }
0x7a: {  	[hbm4b:s2+s4] =	stream.linear.scatter [tilespmem:s25], [sflag:$0x13], $0x2000, $0x38;
	[tilespmem:$0x1A7B8] =	vst v63  }
0x7b: {  	_ =	swait.ge [sflag:s6], $0x2000  }
0x7c: {  	p6 =	por $0x0, $0x0;
	[sflag:s6] =	ssyncset.done $0x0  }
0x7d: {  	s9 =	simm.s32 @!p1 $0x107B8;
	s2 =	simm.s32 @!p1 $0x778;
	[sflag:s6] =	ssyncadd.s32 $0xFFFFE000  }
0x7e: {  	[tilespmem:s9], [sflag:$0x6] =	stream.indirect.gather @!p1 [spmem:s3], $0x80, s2, s13, $0xb8;
	[tilespmem:$0x1A7B8] =	vst v63  }
0x7f: {  	s11 =	simm.s32 $0x1400;
	s9 =	simm.s32 $0xA00;
	_ =	swait.ge [sflag:s7], $0x2000  }
0x80: {  	p1 =	por p6, p6;
	s26 =	rddreg [dreg:$0x6];
	[sflag:s7] =	ssyncset.done $0x0  }
0x81: {  	s2 =	sadd.s32 $0x2800, s15;
	[sflag:s7] =	ssyncadd.s32 $0xFFFFE000;
	s13 =	sadd.s32 s15, s26  }
.LBB2_2:
0x82: {  	s24 =	simm.s32 $0x187B8;
	s17 =	simm.s32 @!p1 $0x11  }
0x83: {  	[hbm4b:s13+s4] =	stream.linear.scatter [tilespmem:s24], [sflag:$0x14], $0x2000, $0x38;
	[tilespmem:$0x1A7B8] =	vst v63  }
0x84: {  	_ =	swait.ge @!p1 [sflag:s17], $0x2000  }
0x85: {  	s15 =	sshra.s32 s9, $0x2;
	[sflag:s17] =	ssyncset.done @!p1 $0x0  }
0x86: {  	s19 =	sadd.s32 $0x538, s15;
	[sflag:s17] =	ssyncadd.s32 @!p1 $0xFFFFE000  }
0x87: {  	[tilespmem:s29], [sflag:$0x7] =	stream.indirect.gather [spmem:s3], $0x80, s19, s10, $0xb8;
	[tilespmem:$0x1A7B8] =	vst v63  }
0x88: {  	s19 =	simm.s32 $0x1  }
0x89: {  	_ =	swait.ge [sflag:s19], $0x2000  }
0x8a: {  	[sflag:s19] =	ssyncset.done $0x0  }
0x8b: {  	s21 =	rddreg [dreg:$0x5];
	[sflag:s19] =	ssyncadd.s32 $0xFFFFE000  }
0x8c: {  	s17 =	sadd.s32 s2, s21;
	s19 =	simm.s32 @!p1 $0x12;
	s21 =	simm.s32 $0x67B8  }
0x8d: {  	[hbm4b:s17+s4] =	stream.linear.scatter [tilespmem:s21], [sflag:$0xB], $0x2000, $0x38;
	[tilespmem:$0x1A7B8] =	vst v63  }
0x8e: {  	_ =	swait.ge @!p1 [sflag:s19], $0x2000  }
0x8f: {  	s23 =	simm.s32 $0x147B8;
	[sflag:s19] =	ssyncset.done @!p1 $0x0  }
0x90: {  	s25 =	simm.s32 $0x2;
	s22 =	sadd.s32 $0x578, s15;
	[sflag:s19] =	ssyncadd.s32 @!p1 $0xFFFFE000  }
0x91: {  	[tilespmem:s23], [sflag:$0x8] =	stream.indirect.gather [spmem:s3], $0x80, s22, s10, $0xb8;
	[tilespmem:$0x1A7B8] =	vst v63  }
0x92: {  	_ =	swait.ge [sflag:s25], $0x2000  }
0x93: {  	s26 =	sadd.s32 $0x400, s17;
	[sflag:s25] =	ssyncset.done $0x0  }
0x94: {  	s21 =	simm.s32 @!p1 $0x13;
	s22 =	simm.s32 $0x87B8;
	[sflag:s25] =	ssyncadd.s32 $0xFFFFE000  }
0x95: {  	[hbm4b:s26+s4] =	stream.linear.scatter [tilespmem:s22], [sflag:$0xC], $0x2000, $0x38;
	[tilespmem:$0x1A7B8] =	vst v63  }
0x96: {  	_ =	swait.ge @!p1 [sflag:s21], $0x2000  }
0x97: {  	[sflag:s21] =	ssyncset.done @!p1 $0x0  }
0x98: {  	s25 =	simm.s32 $0x167B8;
	[sflag:s21] =	ssyncadd.s32 @!p1 $0xFFFFE000;
	s21 =	sadd.s32 $0x5B8, s15  }
0x99: {  	[tilespmem:s25], [sflag:$0x9] =	stream.indirect.gather [spmem:s3], $0x80, s21, s10, $0xb8;
	[tilespmem:$0x1A7B8] =	vst v63  }
0x9a: {  	_ =	swait.ge [sflag:s28], $0x2000  }
0x9b: {  	s26 =	simm.s32 $0xA7B8;
	s22 =	rddreg [dreg:$0xc];
	[sflag:s28] =	ssyncset.done $0x0  }
0x9c: {  	s21 =	simm.s32 @!p1 $0x14;
	[sflag:s28] =	ssyncadd.s32 $0xFFFFE000;
	s19 =	sadd.s32 s2, s22  }
0x9d: {  	[hbm4b:s19+s4] =	stream.linear.scatter [tilespmem:s26], [sflag:$0xD], $0x2000, $0x38;
	[tilespmem:$0x1A7B8] =	vst v63  }
0x9e: {  	_ =	swait.ge @!p1 [sflag:s21], $0x2000  }
0x9f: {  	[sflag:s21] =	ssyncset.done @!p1 $0x0  }
0xa0: {  	s13 =	smov.u32 s11;
	s15 =	sadd.s32 $0x5F8, s15;
	[sflag:s21] =	ssyncadd.s32 @!p1 $0xFFFFE000  }
0xa1: {  	[tilespmem:s24], [sflag:$0xA] =	stream.indirect.gather [spmem:s3], $0x80, s15, s10, $0xb8;
	[tilespmem:$0x1A7B8] =	vst v63  }
0xa2: {  	p3 =	seq.s32 s13, $0x0;
	s26 =	simm.s32 $0xC7B8;
	_ =	swait.ge [sflag:s30], $0x2000  }
0xa3: {  	p1 =	por p3, p3;
	s24 =	rddreg [dreg:$0xb];
	[sflag:s30] =	ssyncset.done $0x0  }
0xa4: {  	p3 =	seq.s32 s9, $0x18600;
	[sflag:s30] =	ssyncadd.s32 $0xFFFFE000;
	s15 =	sadd.s32 s2, s24  }
0xa5: {  	[hbm4b:s15+s4] =	stream.linear.scatter [tilespmem:s26], [sflag:$0xE], $0x2000, $0x38;
	[tilespmem:$0x1A7B8] =	vst v63  }
0xa6: {  	s9 =	sshra.s32 @!p3 s9, $0x2;
	_ =	swait.ge [sflag:s31], $0x2000  }
0xa7: {  	s19 =	simm.s32 @!p3 $0x67B8;
	s21 =	sadd.s32 @!p3 $0x638, s9;
	[sflag:s31] =	ssyncset.done $0x0  }
0xa8: {  	s22 =	sadd.s32 @!p3 $0x6B8, s9;
	s15 =	simm.s32 @!p3 $0x40;
	[sflag:s31] =	ssyncadd.s32 $0xFFFFE000  }
0xa9: {  	[tilespmem:s19], [sflag:$0x1] =	stream.indirect.gather @!p3 [spmem:s3], $0x80, s21, s15, $0xb8;
	[tilespmem:$0x1A7B8] =	vst v63  }
0xaa: {  	s24 =	sadd.s32 @!p3 $0x6F8, s9;
	s26 =	sadd.s32 $0x1000, s17;
	_ =	swait.ge [sflag:s1], $0x2000  }
0xab: {  	s17 =	sadd.s32 @!p3 $0x778, s9;
	s21 =	sadd.s32 @!p3 $0x678, s9;
	[sflag:s1] =	ssyncset.done $0x0  }
0xac: {  	s19 =	sadd.s32 @!p3 $0x738, s9;
	s9 =	simm.s32 $0xE7B8;
	[sflag:s1] =	ssyncadd.s32 $0xFFFFE000  }
0xad: {  	[hbm4b:s26+s4] =	stream.linear.scatter [tilespmem:s9], [sflag:$0xF], $0x2000, $0x38;
	[tilespmem:$0x1A7B8] =	vst v63  }
0xae: {  	_ =	swait.ge [sflag:s0], $0x2000  }
0xaf: {  	[sflag:s0] =	ssyncset.done $0x0  }
0xb0: {  	s9 =	smov.u32 s13;
	s13 =	simm.s32 @!p3 $0x87B8;
	[sflag:s0] =	ssyncadd.s32 $0xFFFFE000  }
0xb1: {  	[tilespmem:s13], [sflag:$0x2] =	stream.indirect.gather @!p3 [spmem:s3], $0x80, s21, s15, $0xb8;
	[tilespmem:$0x1A7B8] =	vst v63  }
0xb2: {  	_ =	swait.ge [sflag:s12], $0x2000  }
0xb3: {  	s21 =	rddreg [dreg:$0xa];
	[sflag:s12] =	ssyncset.done $0x0  }
0xb4: {  	s26 =	simm.s32 $0x107B8;
	[sflag:s12] =	ssyncadd.s32 $0xFFFFE000;
	s13 =	sadd.s32 s2, s21  }
0xb5: {  	[hbm4b:s13+s4] =	stream.linear.scatter [tilespmem:s26], [sflag:$0x10], $0x2000, $0x38;
	[tilespmem:$0x1A7B8] =	vst v63  }
0xb6: {  	_ =	swait.ge [sflag:s14], $0x2000  }
0xb7: {  	[sflag:s14] =	ssyncset.done $0x0  }
0xb8: {  	s13 =	simm.s32 @!p3 $0xA7B8;
	[sflag:s14] =	ssyncadd.s32 $0xFFFFE000  }
0xb9: {  	[tilespmem:s13], [sflag:$0x3] =	stream.indirect.gather @!p3 [spmem:s3], $0x80, s22, s15, $0xb8;
	[tilespmem:$0x1A7B8] =	vst v63  }
0xba: {  	_ =	swait.ge [sflag:s16], $0x2000  }
0xbb: {  	s21 =	rddreg [dreg:$0x9];
	[sflag:s16] =	ssyncset.done $0x0  }
0xbc: {  	[sflag:s16] =	ssyncadd.s32 $0xFFFFE000;
	s13 =	sadd.s32 s2, s21  }
0xbd: {  	[hbm4b:s13+s4] =	stream.linear.scatter [tilespmem:s29], [sflag:$0x11], $0x2000, $0x38;
	[tilespmem:$0x1A7B8] =	vst v63  }
0xbe: {  	_ =	swait.ge [sflag:s18], $0x2000  }
0xbf: {  	[sflag:s18] =	ssyncset.done $0x0  }
0xc0: {  	s13 =	simm.s32 @!p3 $0xC7B8;
	[sflag:s18] =	ssyncadd.s32 $0xFFFFE000  }
0xc1: {  	[tilespmem:s13], [sflag:$0x4] =	stream.indirect.gather @!p3 [spmem:s3], $0x80, s24, s15, $0xb8;
	[tilespmem:$0x1A7B8] =	vst v63  }
0xc2: {  	_ =	swait.ge [sflag:s20], $0x2000  }
0xc3: {  	s22 =	rddreg [dreg:$0x8];
	[sflag:s20] =	ssyncset.done $0x0  }
0xc4: {  	[sflag:s20] =	ssyncadd.s32 $0xFFFFE000;
	s13 =	sadd.s32 s2, s22  }
0xc5: {  	[hbm4b:s13+s4] =	stream.linear.scatter [tilespmem:s23], [sflag:$0x12], $0x2000, $0x38;
	[tilespmem:$0x1A7B8] =	vst v63  }
0xc6: {  	_ =	swait.ge [sflag:s5], $0x2000  }
0xc7: {  	[sflag:s5] =	ssyncset.done $0x0  }
0xc8: {  	s13 =	simm.s32 @!p3 $0xE7B8;
	[sflag:s5] =	ssyncadd.s32 $0xFFFFE000  }
0xc9: {  	[tilespmem:s13], [sflag:$0x5] =	stream.indirect.gather @!p3 [spmem:s3], $0x80, s19, s15, $0xb8;
	[tilespmem:$0x1A7B8] =	vst v63  }
0xca: {  	_ =	swait.ge [sflag:s8], $0x2000  }
0xcb: {  	s24 =	rddreg [dreg:$0x7];
	[sflag:s8] =	ssyncset.done $0x0  }
0xcc: {  	[sflag:s8] =	ssyncadd.s32 $0xFFFFE000;
	s13 =	sadd.s32 s2, s24  }
0xcd: {  	[hbm4b:s13+s4] =	stream.linear.scatter [tilespmem:s25], [sflag:$0x13], $0x2000, $0x38;
	[tilespmem:$0x1A7B8] =	vst v63  }
0xce: {  	s11 =	sadd.s32 $0xA00, s11;
	_ =	swait.ge [sflag:s6], $0x2000  }
0xcf: {  	p2 =	sne.s32 s11, $0x19000;
	[sflag:s6] =	ssyncset.done $0x0  }
.Ltmp0:
0xd0: {  	s13 =	simm.s32 @!p3 $0x107B8;
	[sflag:s6] =	ssyncadd.s32 $0xFFFFE000;
	(pc) =	sbr.rel @p2 .LBB2_2-.Ltmp0, $4  }
0xd1: {  	[tilespmem:s13], [sflag:$0x6] =	stream.indirect.gather @!p3 [spmem:s3], $0x80, s17, s15, $0xb8;
	[tilespmem:$0x1A7B8] =	vst v63  }
0xd2: {  	_ =	swait.ge [sflag:s7], $0x2000  }
0xd3: {  	[sflag:s7] =	ssyncset.done $0x0;
	s26 =	rddreg [dreg:$0x6]  }
0xd4: {  	[sflag:s7] =	ssyncadd.s32 $0xFFFFE000;
	s13 =	sadd.s32 s2, s26;
	s2 =	sadd.s32 $0x2800, s2  }
0xd5: {  	s24 =	simm.s32 $0x187B8;
	s11 =	simm.s32 @!p1 $0x11  }
0xd6: {  	[hbm4b:s13+s4] =	stream.linear.scatter [tilespmem:s24], [sflag:$0x14], $0x2000, $0x38;
	[tilespmem:$0x1A7B8] =	vst v63  }
0xd7: {  	_ =	swait.ge @!p1 [sflag:s11], $0x2000  }
0xd8: {  	s21 =	simm.s32 $0x127B8;
	s13 =	sshra.s32 s9, $0x2;
	[sflag:s11] =	ssyncset.done @!p1 $0x0  }
0xd9: {  	s15 =	simm.s32 $0x1;
	s19 =	sadd.s32 $0x538, s13;
	[sflag:s11] =	ssyncadd.s32 @!p1 $0xFFFFE000  }
0xda: {  	[tilespmem:s21], [sflag:$0x7] =	stream.indirect.gather [spmem:s3], $0x80, s19, s10, $0xb8;
	[tilespmem:$0x1A7B8] =	vst v63  }
0xdb: {  	_ =	swait.ge [sflag:s15], $0x2000  }
0xdc: {  	s17 =	simm.s32 $0x67B8;
	s22 =	rddreg [dreg:$0x5];
	[sflag:s15] =	ssyncset.done $0x0  }
0xdd: {  	[sflag:s15] =	ssyncadd.s32 $0xFFFFE000;
	s11 =	sadd.s32 s2, s22;
	s15 =	simm.s32 @!p1 $0x12  }
0xde: {  	[hbm4b:s11+s4] =	stream.linear.scatter [tilespmem:s17], [sflag:$0xB], $0x2000, $0x38;
	[tilespmem:$0x1A7B8] =	vst v63  }
0xdf: {  	_ =	swait.ge @!p1 [sflag:s15], $0x2000  }
0xe0: {  	s25 =	simm.s32 $0x2;
	[sflag:s15] =	ssyncset.done @!p1 $0x0  }
0xe1: {  	s23 =	sadd.s32 $0x578, s13;
	s22 =	simm.s32 $0x147B8;
	[sflag:s15] =	ssyncadd.s32 @!p1 $0xFFFFE000  }
0xe2: {  	[tilespmem:s22], [sflag:$0x8] =	stream.indirect.gather [spmem:s3], $0x80, s23, s10, $0xb8;
	[tilespmem:$0x1A7B8] =	vst v63  }
0xe3: {  	_ =	swait.ge [sflag:s25], $0x2000  }
0xe4: {  	s19 =	simm.s32 $0x87B8;
	[sflag:s25] =	ssyncset.done $0x0  }
0xe5: {  	s26 =	sadd.s32 $0x400, s11;
	s17 =	simm.s32 @!p1 $0x13;
	[sflag:s25] =	ssyncadd.s32 $0xFFFFE000  }
0xe6: {  	[hbm4b:s26+s4] =	stream.linear.scatter [tilespmem:s19], [sflag:$0xC], $0x2000, $0x38;
	[tilespmem:$0x1A7B8] =	vst v63  }
0xe7: {  	_ =	swait.ge @!p1 [sflag:s17], $0x2000  }
0xe8: {  	[sflag:s17] =	ssyncset.done @!p1 $0x0  }
0xe9: {  	s23 =	simm.s32 $0x167B8;
	s19 =	sadd.s32 $0x5B8, s13;
	[sflag:s17] =	ssyncadd.s32 @!p1 $0xFFFFE000  }
0xea: {  	[tilespmem:s23], [sflag:$0x9] =	stream.indirect.gather [spmem:s3], $0x80, s19, s10, $0xb8;
	[tilespmem:$0x1A7B8] =	vst v63  }
0xeb: {  	_ =	swait.ge [sflag:s28], $0x2000  }
0xec: {  	s26 =	simm.s32 $0xA7B8;
	s25 =	rddreg [dreg:$0xc];
	[sflag:s28] =	ssyncset.done $0x0  }
0xed: {  	s17 =	simm.s32 @!p1 $0x14;
	[sflag:s28] =	ssyncadd.s32 $0xFFFFE000;
	s15 =	sadd.s32 s2, s25  }
0xee: {  	[hbm4b:s15+s4] =	stream.linear.scatter [tilespmem:s26], [sflag:$0xD], $0x2000, $0x38;
	[tilespmem:$0x1A7B8] =	vst v63  }
0xef: {  	_ =	swait.ge @!p1 [sflag:s17], $0x2000  }
0xf0: {  	[sflag:s17] =	ssyncset.done @!p1 $0x0  }
0xf1: {  	s13 =	sadd.s32 $0x5F8, s13;
	[sflag:s17] =	ssyncadd.s32 @!p1 $0xFFFFE000  }
0xf2: {  	[tilespmem:s24], [sflag:$0xA] =	stream.indirect.gather [spmem:s3], $0x80, s13, s10, $0xb8;
	[tilespmem:$0x1A7B8] =	vst v63  }
0xf3: {  	_ =	swait.ge [sflag:s30], $0x2000  }
0xf4: {  	s19 =	rddreg [dreg:$0xb];
	[sflag:s30] =	ssyncset.done $0x0  }
0xf5: {  	s25 =	simm.s32 $0xC7B8;
	[sflag:s30] =	ssyncadd.s32 $0xFFFFE000;
	s13 =	sadd.s32 s2, s19  }
0xf6: {  	[hbm4b:s13+s4] =	stream.linear.scatter [tilespmem:s25], [sflag:$0xE], $0x2000, $0x38;
	[tilespmem:$0x1A7B8] =	vst v63  }
0xf7: {  	p1 =	seq.s32 s9, $0x18600;
	_ =	swait.ge [sflag:s31], $0x2000  }
0xf8: {  	s9 =	sshra.s32 @!p1 s9, $0x2;
	s17 =	simm.s32 @!p1 $0x40;
	[sflag:s31] =	ssyncset.done $0x0  }
0xf9: {  	s15 =	sadd.s32 @!p1 $0x638, s9;
	s13 =	simm.s32 @!p1 $0x67B8;
	[sflag:s31] =	ssyncadd.s32 $0xFFFFE000  }
0xfa: {  	[tilespmem:s13], [sflag:$0x1] =	stream.indirect.gather @!p1 [spmem:s3], $0x80, s15, s17, $0xb8;
	[tilespmem:$0x1A7B8] =	vst v63  }
0xfb: {  	_ =	swait.ge [sflag:s1], $0x2000  }
0xfc: {  	[sflag:s1] =	ssyncset.done $0x0  }
0xfd: {  	s11 =	sadd.s32 $0x1000, s11;
	s26 =	simm.s32 $0xE7B8;
	[sflag:s1] =	ssyncadd.s32 $0xFFFFE000  }
0xfe: {  	[hbm4b:s11+s4] =	stream.linear.scatter [tilespmem:s26], [sflag:$0xF], $0x2000, $0x38;
	[tilespmem:$0x1A7B8] =	vst v63  }
0xff: {  	_ =	swait.ge [sflag:s0], $0x2000  }
0x100: {  	[sflag:s0] =	ssyncset.done $0x0  }
0x101: {  	s13 =	simm.s32 @!p1 $0x87B8;
	s11 =	sadd.s32 @!p1 $0x678, s9;
	[sflag:s0] =	ssyncadd.s32 $0xFFFFE000  }
0x102: {  	[tilespmem:s13], [sflag:$0x2] =	stream.indirect.gather @!p1 [spmem:s3], $0x80, s11, s17, $0xb8;
	[tilespmem:$0x1A7B8] =	vst v63  }
0x103: {  	_ =	swait.ge [sflag:s12], $0x2000  }
0x104: {  	s15 =	rddreg [dreg:$0xa];
	[sflag:s12] =	ssyncset.done $0x0  }
0x105: {  	s19 =	simm.s32 $0x107B8;
	[sflag:s12] =	ssyncadd.s32 $0xFFFFE000;
	s11 =	sadd.s32 s2, s15  }
0x106: {  	[hbm4b:s11+s4] =	stream.linear.scatter [tilespmem:s19], [sflag:$0x10], $0x2000, $0x38;
	[tilespmem:$0x1A7B8] =	vst v63  }
0x107: {  	_ =	swait.ge [sflag:s14], $0x2000  }
0x108: {  	[sflag:s14] =	ssyncset.done $0x0  }
0x109: {  	s13 =	simm.s32 @!p1 $0xA7B8;
	s11 =	sadd.s32 @!p1 $0x6B8, s9;
	[sflag:s14] =	ssyncadd.s32 $0xFFFFE000  }
0x10a: {  	[tilespmem:s13], [sflag:$0x3] =	stream.indirect.gather @!p1 [spmem:s3], $0x80, s11, s17, $0xb8;
	[tilespmem:$0x1A7B8] =	vst v63  }
0x10b: {  	_ =	swait.ge [sflag:s16], $0x2000  }
0x10c: {  	s25 =	rddreg [dreg:$0x9];
	[sflag:s16] =	ssyncset.done $0x0  }
0x10d: {  	[sflag:s16] =	ssyncadd.s32 $0xFFFFE000;
	s11 =	sadd.s32 s2, s25  }
0x10e: {  	[hbm4b:s11+s4] =	stream.linear.scatter [tilespmem:s21], [sflag:$0x11], $0x2000, $0x38;
	[tilespmem:$0x1A7B8] =	vst v63  }
0x10f: {  	_ =	swait.ge [sflag:s18], $0x2000  }
0x110: {  	[sflag:s18] =	ssyncset.done $0x0  }
0x111: {  	s13 =	simm.s32 @!p1 $0xC7B8;
	s11 =	sadd.s32 @!p1 $0x6F8, s9;
	[sflag:s18] =	ssyncadd.s32 $0xFFFFE000  }
0x112: {  	[tilespmem:s13], [sflag:$0x4] =	stream.indirect.gather @!p1 [spmem:s3], $0x80, s11, s17, $0xb8;
	[tilespmem:$0x1A7B8] =	vst v63  }
0x113: {  	_ =	swait.ge [sflag:s20], $0x2000  }
0x114: {  	s26 =	rddreg [dreg:$0x8];
	[sflag:s20] =	ssyncset.done $0x0  }
0x115: {  	[sflag:s20] =	ssyncadd.s32 $0xFFFFE000;
	s11 =	sadd.s32 s2, s26  }
0x116: {  	[hbm4b:s11+s4] =	stream.linear.scatter [tilespmem:s22], [sflag:$0x12], $0x2000, $0x38;
	[tilespmem:$0x1A7B8] =	vst v63  }
0x117: {  	_ =	swait.ge [sflag:s5], $0x2000  }
0x118: {  	[sflag:s5] =	ssyncset.done $0x0  }
0x119: {  	s13 =	simm.s32 @!p1 $0xE7B8;
	s11 =	sadd.s32 @!p1 $0x738, s9;
	[sflag:s5] =	ssyncadd.s32 $0xFFFFE000  }
0x11a: {  	[tilespmem:s13], [sflag:$0x5] =	stream.indirect.gather @!p1 [spmem:s3], $0x80, s11, s17, $0xb8;
	[tilespmem:$0x1A7B8] =	vst v63  }
0x11b: {  	_ =	swait.ge [sflag:s8], $0x2000  }
0x11c: {  	s13 =	rddreg [dreg:$0x7];
	[sflag:s8] =	ssyncset.done $0x0  }
0x11d: {  	[sflag:s8] =	ssyncadd.s32 $0xFFFFE000;
	s11 =	sadd.s32 s2, s13  }
0x11e: {  	[hbm4b:s11+s4] =	stream.linear.scatter [tilespmem:s23], [sflag:$0x13], $0x2000, $0x38;
	[tilespmem:$0x1A7B8] =	vst v63  }
0x11f: {  	_ =	swait.ge [sflag:s6], $0x2000  }
0x120: {  	[sflag:s6] =	ssyncset.done $0x0  }
0x121: {  	s9 =	sadd.s32 @!p1 $0x778, s9;
	s11 =	simm.s32 @!p1 $0x107B8;
	[sflag:s6] =	ssyncadd.s32 $0xFFFFE000  }
0x122: {  	[tilespmem:s11], [sflag:$0x6] =	stream.indirect.gather @!p1 [spmem:s3], $0x80, s9, s17, $0xb8;
	[tilespmem:$0x1A7B8] =	vst v63  }
0x123: {  	_ =	swait.ge [sflag:s7], $0x2000  }
0x124: {  	s15 =	rddreg [dreg:$0x6];
	[sflag:s7] =	ssyncset.done $0x0  }
0x125: {  	s19 =	simm.s32 $0x11;
	s17 =	sadd.s32 s2, s15;
	[sflag:s7] =	ssyncadd.s32 $0xFFFFE000  }
0x126: {  	[hbm4b:s17+s4] =	stream.linear.scatter [tilespmem:s24], [sflag:$0x14], $0x2000, $0x38;
	[tilespmem:$0x1A7B8] =	vst v63  }
0x127: {  	_ =	swait.ge [sflag:s19], $0x2000  }
0x128: {  	[sflag:s19] =	ssyncset.done $0x0  }
0x129: {  	s21 =	simm.s32 $0x12;
	[sflag:s19] =	ssyncadd.s32 $0xFFFFE000  }
0x12a: {  	_ =	swait.ge [sflag:s21], $0x2000  }
0x12b: {  	[sflag:s21] =	ssyncset.done $0x0  }
0x12c: {  	s22 =	simm.s32 $0x13;
	[sflag:s21] =	ssyncadd.s32 $0xFFFFE000  }
0x12d: {  	_ =	swait.ge [sflag:s22], $0x2000  }
0x12e: {  	[sflag:s22] =	ssyncset.done $0x0  }
0x12f: {  	s23 =	simm.s32 $0x14;
	[sflag:s22] =	ssyncadd.s32 $0xFFFFE000  }
0x130: {  	_ =	swait.ge [sflag:s23], $0x2000  }
0x131: {  	s24 =	rddreg [dreg:$0x10]  }
0x132: {  	s25 =	rddreg [dreg:$0xe];
	s11 =	sadd.s32 $0x1, s24  }
0x133: {  	p1 =	sne.s32 s11, s25  }
.Ltmp1:
0x134: {  	_ = 	snop;
	(pc) =	sbr.rel @p1 .LBB2_1-.Ltmp1, $3  }
0x135: {  	_ =	sdelay $0x1  }
0x136: {  	[sflag:s23] =	ssyncset.done $0x0  }
0x137: {  	s26 =	simm.s32 $0x187B8;
	[sflag:s23] =	ssyncadd.s32 $0xFFFFE000  }
0x138: {  	_ =	sfence.sel $0x180000  }
0x139: {  	[bflag:$0x0] =	sbarrier.arrive $0xFFFF  }
0x13a: {  	_ =	strace $0x90000047  }
0x13b: {  	[bflag:$0x2] =	sbarrier.arrive $0xFFFF  }
0x13c: {  	s0 =	rddreg [dreg:$0x4]  }
0x13d: {  	s0 =	sadd.s32 @!p0 $0x100000, s0  }
0x13e: {  	[sflag:s0] =	ssyncadd.tile.s32 @!p0 $0x1;
	_ =	shalt  }
.Lfunc_end2:
_tile_overlayer_lowered:
.L_overlay_start_2:
0x13f: {  	(tag) =	ssettag $0x2  }
0x140: {  	s0 =	rddreg [dreg:$0x0];
	s2 =	stileid.u32  }
0x141: {  	s1 =	rddreg [dreg:$0x1];
	p0 =	sne.s32 s2, $0x0  }
0x142: {  	s3 =	rddreg [dreg:$0x2];
	[bflag:$0x3] =	sbarrier.arrive $0xFFFF;
	s2 =	simm.s32 @!p0 $0x1C15  }
0x143: {  	[timem:s3], [sflag:s2] =	dma.local @!p0 [hbm:s0], s1  }
0x144: {  	s0 =	simm.s32 @!p0 $0x15  }
0x145: {  	_ =	swait.ge @!p0 [sflag:s0], s1  }
0x146: {  	s1 =	ssub.s32 @!p0 $0x0, s1;
	[sflag:s0] =	ssyncset.done @!p0 $0x0  }
0x147: {  	[sflag:s0] =	ssyncadd.s32 @!p0 s1  }
0x148: {  	[bflag:$0x3] =	sbarrier.arrive $0xFFFF  }
0x149: {  	_ =	shalt  }

</sc_bundles>
